<compile_context>
chip_gen: v7x
topology: tpu7x:2x2x1
jax: 0.10.2.dev20260603
libtpu: 0.0.44.dev20260713+nightly
codegen_flags: <defaults>
</compile_context>

<pallas_src>
import functools

import jax
import jax.numpy as jnp
from jax import lax
from jax.experimental import pallas as pl
from jax.experimental.pallas import tpu as pltpu
from jax.experimental.pallas import tpu_sc as plsc

_V = 1000
_D = 200
_DP = 256
_B = 1024
_L = 200
_NC = 2
_NS = 16
_NW = _NC * _NS
_MB = _B // 128
_NBLK = _L * _MB
_PER_W = _NBLK // _NW
_JB = 13

_mesh = plsc.VectorSubcoreMesh(core_axis_name="c", subcore_axis_name="s")


@functools.partial(
    pl.kernel,
    mesh=_mesh,
    out_type=jax.ShapeDtypeStruct((_L * _D, _B), jnp.float32),
    compiler_params=pltpu.CompilerParams(
        use_tc_tiling_on_sc=True, needs_layout_passes=False),
    scratch_types=(
        [pltpu.VMEM((_PER_W, 128), jnp.int32)]
        + [pltpu.VMEM((128, _DP), jnp.float32) for _ in range(2)]
        + [pltpu.VMEM((16 * _JB, 128), jnp.float32) for _ in range(2)]
        + [pltpu.SemaphoreType.DMA for _ in range(4)]
    ),
)
def _embed(idx_hbm, table_hbm, out_hbm, idx_v, r0, r1, t0, t1, g0, g1, s0, s1):
    rows = (r0, r1)
    tbuf = (t0, t1)
    gsem = (g0, g1)
    ssem = (s0, s1)

    sid = lax.axis_index("s")
    wid = sid * _NC + lax.axis_index("c")

    pltpu.sync_copy(idx_hbm.at[wid], idx_v)

    def gather(i, p):
        return pltpu.make_async_copy(
            table_hbm.at[idx_v.at[i]], rows[p], gsem[p])

    def scat(i, p):
        blk = wid * _PER_W + i
        l = blk // _MB
        m = blk - l * _MB
        return pltpu.make_async_copy(
            tbuf[p].at[pl.ds(0, _D), :],
            out_hbm.at[pl.ds(l * _D, _D), pl.ds(m * 128, 128)],
            ssem[p])

    iota = jnp.arange(16, dtype=jnp.int32)
    rots = [jnp.remainder(iota + d, 16) for d in range(16)]

    def transpose_block(p):
        r = rows[p]
        t = tbuf[p]

        @plsc.parallel_loop(0, _JB * 8, 1)
        def _(v):
            u = v // 8
            tt = v - u * 8
            jvec = u * 16 + iota
            for d in range(16):
                bvec = tt * 16 + rots[d]
                vals = plsc.load_gather(r, [bvec, jvec])
                plsc.store_scatter(t, [jvec, bvec], vals)

    gather(0, 0).start()

    def pair_body(q, carry):
        i0 = 2 * q
        gather(i0, 0).wait()
        pl.when(q > 0)(lambda: scat(i0 - 2, 0).wait())
        gather(i0 + 1, 1).start()
        transpose_block(0)
        scat(i0, 0).start()
        gather(i0 + 1, 1).wait()
        pl.when(q > 0)(lambda: scat(i0 - 1, 1).wait())
        pl.when(q < _PER_W // 2 - 1)(lambda: gather(i0 + 2, 0).start())
        transpose_block(1)
        scat(i0 + 1, 1).start()
        return carry

    lax.fori_loop(0, _PER_W // 2, pair_body, 0)

    scat(_PER_W - 2, 0).wait()
    scat(_PER_W - 1, 1).wait()


def kernel(inputs, table):
    idx = inputs.reshape(_MB, 128, _L).transpose(2, 0, 1).reshape(_NW, _PER_W, 128)
    table_p = jnp.pad(table, ((0, 0), (0, _DP - _D)))
    out = _embed(idx, table_p)
    return out.T

# --- scband reference (transcript-rebuilt; emitter-appended) ---
"""Pipeline reference for scband-bag-of-words-model-4054449127695 (READ-ONLY COPY).

The authoritative reference and input builder live on the scoring server;
editing this copy changes nothing except your own understanding.
"""

import jax, jax.numpy as jnp
import numpy as np

VOCAB_SIZE = 1000
EMBED_DIM = 200
BATCH = 1024
SEQ_LEN = 200


def setup_inputs(seed: int = 0) -> dict:
    key = jax.random.key(seed)
    k1, k2 = jax.random.split(key)
    inputs = jax.random.randint(k1, (BATCH, SEQ_LEN), 0, 900, dtype=jnp.int32)
    table = jax.random.normal(k2, (VOCAB_SIZE, EMBED_DIM), dtype=jnp.float32) * 0.05
    return {"inputs": inputs, "table": table}


def reference(inputs, table):
    # self.network = Sequential([Embedding(vocab_size, embedding_size), Flatten()])
    emb = jnp.take(table, inputs, axis=0)  # [B, L, D] embedding gather
    logits = emb.reshape(emb.shape[0], -1)  # Flatten -> [B, L*D]
    return logits

if __name__ == "__main__":
    import jax
    _d = setup_inputs()
    print(jax.jit(kernel)(*tuple(_d.values())))

</pallas_src>

<mosaic_0001>
#map = affine_map<(d0, d1) -> (0, 0, 0)>
#map1 = affine_map<(d0, d1) -> (0, 0)>
module attributes {stable_mosaic.version = 14 : i64} {
  func.func @_embed(%arg0: i32, %arg1: i32, %arg2: memref<32x50x128xi32, #tpu.memory_space<hbm>>, %arg3: memref<1000x256xf32, #tpu.memory_space<hbm>>, %arg4: memref<40000x1024xf32, #tpu.memory_space<hbm>>, %arg5: memref<50x128xi32, #tpu.memory_space<vmem>>, %arg6: memref<128x256xf32, #tpu.memory_space<vmem>>, %arg7: memref<128x256xf32, #tpu.memory_space<vmem>>, %arg8: memref<208x128xf32, #tpu.memory_space<vmem>>, %arg9: memref<208x128xf32, #tpu.memory_space<vmem>>, %arg10: memref<!tpu.dma_semaphore, #tpu.memory_space<semaphore_mem>>, %arg11: memref<!tpu.dma_semaphore, #tpu.memory_space<semaphore_mem>>, %arg12: memref<!tpu.dma_semaphore, #tpu.memory_space<semaphore_mem>>, %arg13: memref<!tpu.dma_semaphore, #tpu.memory_space<semaphore_mem>>) attributes {dimension_semantics = [#tpu.dimension_semantics<core_parallel>, #tpu.dimension_semantics<subcore_parallel>], iteration_bounds = array<i64: 2, 16>, scalar_prefetch = 0 : i64, scratch_operands = 9 : i64, tpu.core_type = #tpu.core_type<sc_vector_subcore>, window_params = [{transform_indices = #map}, {transform_indices = #map1}, {transform_indices = #map1}]} {
    %mul3A = arith.constant 2 : i32
    %mul3A_0 = arith.muli %arg1, %mul3A : i32
    %add3A = arith.addi %mul3A_0, %arg0 : i32
    "tpu.region"() ({
      %run_scoped3A = tpu.sem_alloc : memref<!tpu.dma_semaphore, #tpu.memory_space<semaphore_mem>>
      %dma_start3A_487 = arith.constant 0 : i32
      %dma_start3A_488 = arith.constant 0 : i32
      %dma_start3A_489 = tpu.memref_slice %arg2[%add3A, %dma_start3A_487, %dma_start3A_488] : memref<32x50x128xi32, #tpu.memory_space<hbm>> -> memref<1x50x128xi32, #tpu.memory_space<hbm>>
      %dma_start3A_490 = tpu.memref_squeeze %dma_start3A_489 : memref<1x50x128xi32, #tpu.memory_space<hbm>> -> memref<50x128xi32, #tpu.memory_space<hbm>>
      %dma_start3A_491 = arith.constant 0 : i32
      %dma_start3A_492 = arith.constant 0 : i32
      %dma_start3A_493 = tpu.memref_slice %arg2[%add3A, %dma_start3A_491, %dma_start3A_492] : memref<32x50x128xi32, #tpu.memory_space<hbm>> -> memref<1x50x128xi32, #tpu.memory_space<hbm>>
      %dma_start3A_494 = tpu.memref_squeeze %dma_start3A_493 : memref<1x50x128xi32, #tpu.memory_space<hbm>> -> memref<50x128xi32, #tpu.memory_space<hbm>>
      tpu.enqueue_dma source(%dma_start3A_494 : memref<50x128xi32, #tpu.memory_space<hbm>>) target(%arg5 : memref<50x128xi32, #tpu.memory_space<vmem>>) target_semaphore(%run_scoped3A : memref<!tpu.dma_semaphore, #tpu.memory_space<semaphore_mem>>)
      %dma_wait3A_495 = arith.constant 0 : i32
      %dma_wait3A_496 = arith.constant 0 : i32
      %dma_wait3A_497 = tpu.memref_slice %arg2[%add3A, %dma_wait3A_495, %dma_wait3A_496] : memref<32x50x128xi32, #tpu.memory_space<hbm>> -> memref<1x50x128xi32, #tpu.memory_space<hbm>>
      %dma_wait3A_498 = tpu.memref_squeeze %dma_wait3A_497 : memref<1x50x128xi32, #tpu.memory_space<hbm>> -> memref<50x128xi32, #tpu.memory_space<hbm>>
      %dma_wait3A_499 = arith.constant 0 : i32
      %dma_wait3A_500 = arith.constant 0 : i32
      %dma_wait3A_501 = tpu.memref_slice %arg2[%add3A, %dma_wait3A_499, %dma_wait3A_500] : memref<32x50x128xi32, #tpu.memory_space<hbm>> -> memref<1x50x128xi32, #tpu.memory_space<hbm>>
      %dma_wait3A_502 = tpu.memref_squeeze %dma_wait3A_501 : memref<1x50x128xi32, #tpu.memory_space<hbm>> -> memref<50x128xi32, #tpu.memory_space<hbm>>
      tpu.wait_dma2 semaphore(%run_scoped3A : memref<!tpu.dma_semaphore, #tpu.memory_space<semaphore_mem>>) src(%dma_wait3A_502 : memref<50x128xi32, #tpu.memory_space<hbm>>) dst(%arg5 : memref<50x128xi32, #tpu.memory_space<vmem>>)
      tpu.yield
    }) : () -> ()
    %iota3A = tpu.iota {dimensions = array<i32: 0>} : vector<16xi32>
    %add3A_1 = arith.constant 0 : i32
    %add3A_2 = vector.broadcast %add3A_1 : i32 to vector<16xi32>
    %add3A_3 = arith.addi %iota3A, %add3A_2 : vector<16xi32>
    %jit3A = arith.constant 16 : i32
    %eq3A = arith.constant 0 : i32
    %eq3A_4 = arith.cmpi eq, %jit3A, %eq3A : i32
    %jit3A_5 = arith.constant 1 : i32
    %select_n3A = arith.select %eq3A_4, %jit3A_5, %jit3A : i32
    %rem3A = vector.broadcast %select_n3A : i32 to vector<16xi32>
    %rem3A_6 = arith.remsi %add3A_3, %rem3A : vector<16xi32>
    %ne3A = arith.constant 0 : i32
    %ne3A_7 = vector.broadcast %ne3A : i32 to vector<16xi32>
    %ne3A_8 = arith.cmpi ne, %rem3A_6, %ne3A_7 : vector<16xi32>
    %lt3A = arith.constant 0 : i32
    %lt3A_9 = vector.broadcast %lt3A : i32 to vector<16xi32>
    %lt3A_10 = arith.cmpi slt, %rem3A_6, %lt3A_9 : vector<16xi32>
    %lt3A_11 = arith.constant 0 : i32
    %lt3A_12 = arith.cmpi slt, %select_n3A, %lt3A_11 : i32
    %ne3A_13 = vector.broadcast %lt3A_12 : i1 to vector<16xi1>
    %ne3A_14 = vector.broadcast %ne3A_13 : vector<16xi1> to vector<16xi1>
    %ne3A_15 = arith.xori %lt3A_10, %ne3A_14 : vector<16xi1>
    %and3A = arith.andi %ne3A_15, %ne3A_8 : vector<16xi1>
    %add3A_16 = vector.broadcast %select_n3A : i32 to vector<16xi32>
    %add3A_17 = arith.addi %rem3A_6, %add3A_16 : vector<16xi32>
    %select_n3A_18 = arith.select %and3A, %add3A_17, %rem3A_6 : vector<16xi1>, vector<16xi32>
    %add3A_19 = arith.constant 1 : i32
    %add3A_20 = vector.broadcast %add3A_19 : i32 to vector<16xi32>
    %add3A_21 = arith.addi %iota3A, %add3A_20 : vector<16xi32>
    %jit3A_22 = arith.constant 16 : i32
    %eq3A_23 = arith.constant 0 : i32
    %eq3A_24 = arith.cmpi eq, %jit3A_22, %eq3A_23 : i32
    %jit3A_25 = arith.constant 1 : i32
    %select_n3A_26 = arith.select %eq3A_24, %jit3A_25, %jit3A_22 : i32
    %rem3A_27 = vector.broadcast %select_n3A_26 : i32 to vector<16xi32>
    %rem3A_28 = arith.remsi %add3A_21, %rem3A_27 : vector<16xi32>
    %ne3A_29 = arith.constant 0 : i32
    %ne3A_30 = vector.broadcast %ne3A_29 : i32 to vector<16xi32>
    %ne3A_31 = arith.cmpi ne, %rem3A_28, %ne3A_30 : vector<16xi32>
    %lt3A_32 = arith.constant 0 : i32
    %lt3A_33 = vector.broadcast %lt3A_32 : i32 to vector<16xi32>
    %lt3A_34 = arith.cmpi slt, %rem3A_28, %lt3A_33 : vector<16xi32>
    %lt3A_35 = arith.constant 0 : i32
    %lt3A_36 = arith.cmpi slt, %select_n3A_26, %lt3A_35 : i32
    %ne3A_37 = vector.broadcast %lt3A_36 : i1 to vector<16xi1>
    %ne3A_38 = vector.broadcast %ne3A_37 : vector<16xi1> to vector<16xi1>
    %ne3A_39 = arith.xori %lt3A_34, %ne3A_38 : vector<16xi1>
    %and3A_40 = arith.andi %ne3A_39, %ne3A_31 : vector<16xi1>
    %add3A_41 = vector.broadcast %select_n3A_26 : i32 to vector<16xi32>
    %add3A_42 = arith.addi %rem3A_28, %add3A_41 : vector<16xi32>
    %select_n3A_43 = arith.select %and3A_40, %add3A_42, %rem3A_28 : vector<16xi1>, vector<16xi32>
    %add3A_44 = arith.constant 2 : i32
    %add3A_45 = vector.broadcast %add3A_44 : i32 to vector<16xi32>
    %add3A_46 = arith.addi %iota3A, %add3A_45 : vector<16xi32>
    %jit3A_47 = arith.constant 16 : i32
    %eq3A_48 = arith.constant 0 : i32
    %eq3A_49 = arith.cmpi eq, %jit3A_47, %eq3A_48 : i32
    %jit3A_50 = arith.constant 1 : i32
    %select_n3A_51 = arith.select %eq3A_49, %jit3A_50, %jit3A_47 : i32
    %rem3A_52 = vector.broadcast %select_n3A_51 : i32 to vector<16xi32>
    %rem3A_53 = arith.remsi %add3A_46, %rem3A_52 : vector<16xi32>
    %ne3A_54 = arith.constant 0 : i32
    %ne3A_55 = vector.broadcast %ne3A_54 : i32 to vector<16xi32>
    %ne3A_56 = arith.cmpi ne, %rem3A_53, %ne3A_55 : vector<16xi32>
    %lt3A_57 = arith.constant 0 : i32
    %lt3A_58 = vector.broadcast %lt3A_57 : i32 to vector<16xi32>
    %lt3A_59 = arith.cmpi slt, %rem3A_53, %lt3A_58 : vector<16xi32>
    %lt3A_60 = arith.constant 0 : i32
    %lt3A_61 = arith.cmpi slt, %select_n3A_51, %lt3A_60 : i32
    %ne3A_62 = vector.broadcast %lt3A_61 : i1 to vector<16xi1>
    %ne3A_63 = vector.broadcast %ne3A_62 : vector<16xi1> to vector<16xi1>
    %ne3A_64 = arith.xori %lt3A_59, %ne3A_63 : vector<16xi1>
    %and3A_65 = arith.andi %ne3A_64, %ne3A_56 : vector<16xi1>
    %add3A_66 = vector.broadcast %select_n3A_51 : i32 to vector<16xi32>
    %add3A_67 = arith.addi %rem3A_53, %add3A_66 : vector<16xi32>
    %select_n3A_68 = arith.select %and3A_65, %add3A_67, %rem3A_53 : vector<16xi1>, vector<16xi32>
    %add3A_69 = arith.constant 3 : i32
    %add3A_70 = vector.broadcast %add3A_69 : i32 to vector<16xi32>
    %add3A_71 = arith.addi %iota3A, %add3A_70 : vector<16xi32>
    %jit3A_72 = arith.constant 16 : i32
    %eq3A_73 = arith.constant 0 : i32
    %eq3A_74 = arith.cmpi eq, %jit3A_72, %eq3A_73 : i32
    %jit3A_75 = arith.constant 1 : i32
    %select_n3A_76 = arith.select %eq3A_74, %jit3A_75, %jit3A_72 : i32
    %rem3A_77 = vector.broadcast %select_n3A_76 : i32 to vector<16xi32>
    %rem3A_78 = arith.remsi %add3A_71, %rem3A_77 : vector<16xi32>
    %ne3A_79 = arith.constant 0 : i32
    %ne3A_80 = vector.broadcast %ne3A_79 : i32 to vector<16xi32>
    %ne3A_81 = arith.cmpi ne, %rem3A_78, %ne3A_80 : vector<16xi32>
    %lt3A_82 = arith.constant 0 : i32
    %lt3A_83 = vector.broadcast %lt3A_82 : i32 to vector<16xi32>
    %lt3A_84 = arith.cmpi slt, %rem3A_78, %lt3A_83 : vector<16xi32>
    %lt3A_85 = arith.constant 0 : i32
    %lt3A_86 = arith.cmpi slt, %select_n3A_76, %lt3A_85 : i32
    %ne3A_87 = vector.broadcast %lt3A_86 : i1 to vector<16xi1>
    %ne3A_88 = vector.broadcast %ne3A_87 : vector<16xi1> to vector<16xi1>
    %ne3A_89 = arith.xori %lt3A_84, %ne3A_88 : vector<16xi1>
    %and3A_90 = arith.andi %ne3A_89, %ne3A_81 : vector<16xi1>
    %add3A_91 = vector.broadcast %select_n3A_76 : i32 to vector<16xi32>
    %add3A_92 = arith.addi %rem3A_78, %add3A_91 : vector<16xi32>
    %select_n3A_93 = arith.select %and3A_90, %add3A_92, %rem3A_78 : vector<16xi1>, vector<16xi32>
    %add3A_94 = arith.constant 4 : i32
    %add3A_95 = vector.broadcast %add3A_94 : i32 to vector<16xi32>
    %add3A_96 = arith.addi %iota3A, %add3A_95 : vector<16xi32>
    %jit3A_97 = arith.constant 16 : i32
    %eq3A_98 = arith.constant 0 : i32
    %eq3A_99 = arith.cmpi eq, %jit3A_97, %eq3A_98 : i32
    %jit3A_100 = arith.constant 1 : i32
    %select_n3A_101 = arith.select %eq3A_99, %jit3A_100, %jit3A_97 : i32
    %rem3A_102 = vector.broadcast %select_n3A_101 : i32 to vector<16xi32>
    %rem3A_103 = arith.remsi %add3A_96, %rem3A_102 : vector<16xi32>
    %ne3A_104 = arith.constant 0 : i32
    %ne3A_105 = vector.broadcast %ne3A_104 : i32 to vector<16xi32>
    %ne3A_106 = arith.cmpi ne, %rem3A_103, %ne3A_105 : vector<16xi32>
    %lt3A_107 = arith.constant 0 : i32
    %lt3A_108 = vector.broadcast %lt3A_107 : i32 to vector<16xi32>
    %lt3A_109 = arith.cmpi slt, %rem3A_103, %lt3A_108 : vector<16xi32>
    %lt3A_110 = arith.constant 0 : i32
    %lt3A_111 = arith.cmpi slt, %select_n3A_101, %lt3A_110 : i32
    %ne3A_112 = vector.broadcast %lt3A_111 : i1 to vector<16xi1>
    %ne3A_113 = vector.broadcast %ne3A_112 : vector<16xi1> to vector<16xi1>
    %ne3A_114 = arith.xori %lt3A_109, %ne3A_113 : vector<16xi1>
    %and3A_115 = arith.andi %ne3A_114, %ne3A_106 : vector<16xi1>
    %add3A_116 = vector.broadcast %select_n3A_101 : i32 to vector<16xi32>
    %add3A_117 = arith.addi %rem3A_103, %add3A_116 : vector<16xi32>
    %select_n3A_118 = arith.select %and3A_115, %add3A_117, %rem3A_103 : vector<16xi1>, vector<16xi32>
    %add3A_119 = arith.constant 5 : i32
    %add3A_120 = vector.broadcast %add3A_119 : i32 to vector<16xi32>
    %add3A_121 = arith.addi %iota3A, %add3A_120 : vector<16xi32>
    %jit3A_122 = arith.constant 16 : i32
    %eq3A_123 = arith.constant 0 : i32
    %eq3A_124 = arith.cmpi eq, %jit3A_122, %eq3A_123 : i32
    %jit3A_125 = arith.constant 1 : i32
    %select_n3A_126 = arith.select %eq3A_124, %jit3A_125, %jit3A_122 : i32
    %rem3A_127 = vector.broadcast %select_n3A_126 : i32 to vector<16xi32>
    %rem3A_128 = arith.remsi %add3A_121, %rem3A_127 : vector<16xi32>
    %ne3A_129 = arith.constant 0 : i32
    %ne3A_130 = vector.broadcast %ne3A_129 : i32 to vector<16xi32>
    %ne3A_131 = arith.cmpi ne, %rem3A_128, %ne3A_130 : vector<16xi32>
    %lt3A_132 = arith.constant 0 : i32
    %lt3A_133 = vector.broadcast %lt3A_132 : i32 to vector<16xi32>
    %lt3A_134 = arith.cmpi slt, %rem3A_128, %lt3A_133 : vector<16xi32>
    %lt3A_135 = arith.constant 0 : i32
    %lt3A_136 = arith.cmpi slt, %select_n3A_126, %lt3A_135 : i32
    %ne3A_137 = vector.broadcast %lt3A_136 : i1 to vector<16xi1>
    %ne3A_138 = vector.broadcast %ne3A_137 : vector<16xi1> to vector<16xi1>
    %ne3A_139 = arith.xori %lt3A_134, %ne3A_138 : vector<16xi1>
    %and3A_140 = arith.andi %ne3A_139, %ne3A_131 : vector<16xi1>
    %add3A_141 = vector.broadcast %select_n3A_126 : i32 to vector<16xi32>
    %add3A_142 = arith.addi %rem3A_128, %add3A_141 : vector<16xi32>
    %select_n3A_143 = arith.select %and3A_140, %add3A_142, %rem3A_128 : vector<16xi1>, vector<16xi32>
    %add3A_144 = arith.constant 6 : i32
    %add3A_145 = vector.broadcast %add3A_144 : i32 to vector<16xi32>
    %add3A_146 = arith.addi %iota3A, %add3A_145 : vector<16xi32>
    %jit3A_147 = arith.constant 16 : i32
    %eq3A_148 = arith.constant 0 : i32
    %eq3A_149 = arith.cmpi eq, %jit3A_147, %eq3A_148 : i32
    %jit3A_150 = arith.constant 1 : i32
    %select_n3A_151 = arith.select %eq3A_149, %jit3A_150, %jit3A_147 : i32
    %rem3A_152 = vector.broadcast %select_n3A_151 : i32 to vector<16xi32>
    %rem3A_153 = arith.remsi %add3A_146, %rem3A_152 : vector<16xi32>
    %ne3A_154 = arith.constant 0 : i32
    %ne3A_155 = vector.broadcast %ne3A_154 : i32 to vector<16xi32>
    %ne3A_156 = arith.cmpi ne, %rem3A_153, %ne3A_155 : vector<16xi32>
    %lt3A_157 = arith.constant 0 : i32
    %lt3A_158 = vector.broadcast %lt3A_157 : i32 to vector<16xi32>
    %lt3A_159 = arith.cmpi slt, %rem3A_153, %lt3A_158 : vector<16xi32>
    %lt3A_160 = arith.constant 0 : i32
    %lt3A_161 = arith.cmpi slt, %select_n3A_151, %lt3A_160 : i32
    %ne3A_162 = vector.broadcast %lt3A_161 : i1 to vector<16xi1>
    %ne3A_163 = vector.broadcast %ne3A_162 : vector<16xi1> to vector<16xi1>
    %ne3A_164 = arith.xori %lt3A_159, %ne3A_163 : vector<16xi1>
    %and3A_165 = arith.andi %ne3A_164, %ne3A_156 : vector<16xi1>
    %add3A_166 = vector.broadcast %select_n3A_151 : i32 to vector<16xi32>
    %add3A_167 = arith.addi %rem3A_153, %add3A_166 : vector<16xi32>
    %select_n3A_168 = arith.select %and3A_165, %add3A_167, %rem3A_153 : vector<16xi1>, vector<16xi32>
    %add3A_169 = arith.constant 7 : i32
    %add3A_170 = vector.broadcast %add3A_169 : i32 to vector<16xi32>
    %add3A_171 = arith.addi %iota3A, %add3A_170 : vector<16xi32>
    %jit3A_172 = arith.constant 16 : i32
    %eq3A_173 = arith.constant 0 : i32
    %eq3A_174 = arith.cmpi eq, %jit3A_172, %eq3A_173 : i32
    %jit3A_175 = arith.constant 1 : i32
    %select_n3A_176 = arith.select %eq3A_174, %jit3A_175, %jit3A_172 : i32
    %rem3A_177 = vector.broadcast %select_n3A_176 : i32 to vector<16xi32>
    %rem3A_178 = arith.remsi %add3A_171, %rem3A_177 : vector<16xi32>
    %ne3A_179 = arith.constant 0 : i32
    %ne3A_180 = vector.broadcast %ne3A_179 : i32 to vector<16xi32>
    %ne3A_181 = arith.cmpi ne, %rem3A_178, %ne3A_180 : vector<16xi32>
    %lt3A_182 = arith.constant 0 : i32
    %lt3A_183 = vector.broadcast %lt3A_182 : i32 to vector<16xi32>
    %lt3A_184 = arith.cmpi slt, %rem3A_178, %lt3A_183 : vector<16xi32>
    %lt3A_185 = arith.constant 0 : i32
    %lt3A_186 = arith.cmpi slt, %select_n3A_176, %lt3A_185 : i32
    %ne3A_187 = vector.broadcast %lt3A_186 : i1 to vector<16xi1>
    %ne3A_188 = vector.broadcast %ne3A_187 : vector<16xi1> to vector<16xi1>
    %ne3A_189 = arith.xori %lt3A_184, %ne3A_188 : vector<16xi1>
    %and3A_190 = arith.andi %ne3A_189, %ne3A_181 : vector<16xi1>
    %add3A_191 = vector.broadcast %select_n3A_176 : i32 to vector<16xi32>
    %add3A_192 = arith.addi %rem3A_178, %add3A_191 : vector<16xi32>
    %select_n3A_193 = arith.select %and3A_190, %add3A_192, %rem3A_178 : vector<16xi1>, vector<16xi32>
    %add3A_194 = arith.constant 8 : i32
    %add3A_195 = vector.broadcast %add3A_194 : i32 to vector<16xi32>
    %add3A_196 = arith.addi %iota3A, %add3A_195 : vector<16xi32>
    %jit3A_197 = arith.constant 16 : i32
    %eq3A_198 = arith.constant 0 : i32
    %eq3A_199 = arith.cmpi eq, %jit3A_197, %eq3A_198 : i32
    %jit3A_200 = arith.constant 1 : i32
    %select_n3A_201 = arith.select %eq3A_199, %jit3A_200, %jit3A_197 : i32
    %rem3A_202 = vector.broadcast %select_n3A_201 : i32 to vector<16xi32>
    %rem3A_203 = arith.remsi %add3A_196, %rem3A_202 : vector<16xi32>
    %ne3A_204 = arith.constant 0 : i32
    %ne3A_205 = vector.broadcast %ne3A_204 : i32 to vector<16xi32>
    %ne3A_206 = arith.cmpi ne, %rem3A_203, %ne3A_205 : vector<16xi32>
    %lt3A_207 = arith.constant 0 : i32
    %lt3A_208 = vector.broadcast %lt3A_207 : i32 to vector<16xi32>
    %lt3A_209 = arith.cmpi slt, %rem3A_203, %lt3A_208 : vector<16xi32>
    %lt3A_210 = arith.constant 0 : i32
    %lt3A_211 = arith.cmpi slt, %select_n3A_201, %lt3A_210 : i32
    %ne3A_212 = vector.broadcast %lt3A_211 : i1 to vector<16xi1>
    %ne3A_213 = vector.broadcast %ne3A_212 : vector<16xi1> to vector<16xi1>
    %ne3A_214 = arith.xori %lt3A_209, %ne3A_213 : vector<16xi1>
    %and3A_215 = arith.andi %ne3A_214, %ne3A_206 : vector<16xi1>
    %add3A_216 = vector.broadcast %select_n3A_201 : i32 to vector<16xi32>
    %add3A_217 = arith.addi %rem3A_203, %add3A_216 : vector<16xi32>
    %select_n3A_218 = arith.select %and3A_215, %add3A_217, %rem3A_203 : vector<16xi1>, vector<16xi32>
    %add3A_219 = arith.constant 9 : i32
    %add3A_220 = vector.broadcast %add3A_219 : i32 to vector<16xi32>
    %add3A_221 = arith.addi %iota3A, %add3A_220 : vector<16xi32>
    %jit3A_222 = arith.constant 16 : i32
    %eq3A_223 = arith.constant 0 : i32
    %eq3A_224 = arith.cmpi eq, %jit3A_222, %eq3A_223 : i32
    %jit3A_225 = arith.constant 1 : i32
    %select_n3A_226 = arith.select %eq3A_224, %jit3A_225, %jit3A_222 : i32
    %rem3A_227 = vector.broadcast %select_n3A_226 : i32 to vector<16xi32>
    %rem3A_228 = arith.remsi %add3A_221, %rem3A_227 : vector<16xi32>
    %ne3A_229 = arith.constant 0 : i32
    %ne3A_230 = vector.broadcast %ne3A_229 : i32 to vector<16xi32>
    %ne3A_231 = arith.cmpi ne, %rem3A_228, %ne3A_230 : vector<16xi32>
    %lt3A_232 = arith.constant 0 : i32
    %lt3A_233 = vector.broadcast %lt3A_232 : i32 to vector<16xi32>
    %lt3A_234 = arith.cmpi slt, %rem3A_228, %lt3A_233 : vector<16xi32>
    %lt3A_235 = arith.constant 0 : i32
    %lt3A_236 = arith.cmpi slt, %select_n3A_226, %lt3A_235 : i32
    %ne3A_237 = vector.broadcast %lt3A_236 : i1 to vector<16xi1>
    %ne3A_238 = vector.broadcast %ne3A_237 : vector<16xi1> to vector<16xi1>
    %ne3A_239 = arith.xori %lt3A_234, %ne3A_238 : vector<16xi1>
    %and3A_240 = arith.andi %ne3A_239, %ne3A_231 : vector<16xi1>
    %add3A_241 = vector.broadcast %select_n3A_226 : i32 to vector<16xi32>
    %add3A_242 = arith.addi %rem3A_228, %add3A_241 : vector<16xi32>
    %select_n3A_243 = arith.select %and3A_240, %add3A_242, %rem3A_228 : vector<16xi1>, vector<16xi32>
    %add3A_244 = arith.constant 10 : i32
    %add3A_245 = vector.broadcast %add3A_244 : i32 to vector<16xi32>
    %add3A_246 = arith.addi %iota3A, %add3A_245 : vector<16xi32>
    %jit3A_247 = arith.constant 16 : i32
    %eq3A_248 = arith.constant 0 : i32
    %eq3A_249 = arith.cmpi eq, %jit3A_247, %eq3A_248 : i32
    %jit3A_250 = arith.constant 1 : i32
    %select_n3A_251 = arith.select %eq3A_249, %jit3A_250, %jit3A_247 : i32
    %rem3A_252 = vector.broadcast %select_n3A_251 : i32 to vector<16xi32>
    %rem3A_253 = arith.remsi %add3A_246, %rem3A_252 : vector<16xi32>
    %ne3A_254 = arith.constant 0 : i32
    %ne3A_255 = vector.broadcast %ne3A_254 : i32 to vector<16xi32>
    %ne3A_256 = arith.cmpi ne, %rem3A_253, %ne3A_255 : vector<16xi32>
    %lt3A_257 = arith.constant 0 : i32
    %lt3A_258 = vector.broadcast %lt3A_257 : i32 to vector<16xi32>
    %lt3A_259 = arith.cmpi slt, %rem3A_253, %lt3A_258 : vector<16xi32>
    %lt3A_260 = arith.constant 0 : i32
    %lt3A_261 = arith.cmpi slt, %select_n3A_251, %lt3A_260 : i32
    %ne3A_262 = vector.broadcast %lt3A_261 : i1 to vector<16xi1>
    %ne3A_263 = vector.broadcast %ne3A_262 : vector<16xi1> to vector<16xi1>
    %ne3A_264 = arith.xori %lt3A_259, %ne3A_263 : vector<16xi1>
    %and3A_265 = arith.andi %ne3A_264, %ne3A_256 : vector<16xi1>
    %add3A_266 = vector.broadcast %select_n3A_251 : i32 to vector<16xi32>
    %add3A_267 = arith.addi %rem3A_253, %add3A_266 : vector<16xi32>
    %select_n3A_268 = arith.select %and3A_265, %add3A_267, %rem3A_253 : vector<16xi1>, vector<16xi32>
    %add3A_269 = arith.constant 11 : i32
    %add3A_270 = vector.broadcast %add3A_269 : i32 to vector<16xi32>
    %add3A_271 = arith.addi %iota3A, %add3A_270 : vector<16xi32>
    %jit3A_272 = arith.constant 16 : i32
    %eq3A_273 = arith.constant 0 : i32
    %eq3A_274 = arith.cmpi eq, %jit3A_272, %eq3A_273 : i32
    %jit3A_275 = arith.constant 1 : i32
    %select_n3A_276 = arith.select %eq3A_274, %jit3A_275, %jit3A_272 : i32
    %rem3A_277 = vector.broadcast %select_n3A_276 : i32 to vector<16xi32>
    %rem3A_278 = arith.remsi %add3A_271, %rem3A_277 : vector<16xi32>
    %ne3A_279 = arith.constant 0 : i32
    %ne3A_280 = vector.broadcast %ne3A_279 : i32 to vector<16xi32>
    %ne3A_281 = arith.cmpi ne, %rem3A_278, %ne3A_280 : vector<16xi32>
    %lt3A_282 = arith.constant 0 : i32
    %lt3A_283 = vector.broadcast %lt3A_282 : i32 to vector<16xi32>
    %lt3A_284 = arith.cmpi slt, %rem3A_278, %lt3A_283 : vector<16xi32>
    %lt3A_285 = arith.constant 0 : i32
    %lt3A_286 = arith.cmpi slt, %select_n3A_276, %lt3A_285 : i32
    %ne3A_287 = vector.broadcast %lt3A_286 : i1 to vector<16xi1>
    %ne3A_288 = vector.broadcast %ne3A_287 : vector<16xi1> to vector<16xi1>
    %ne3A_289 = arith.xori %lt3A_284, %ne3A_288 : vector<16xi1>
    %and3A_290 = arith.andi %ne3A_289, %ne3A_281 : vector<16xi1>
    %add3A_291 = vector.broadcast %select_n3A_276 : i32 to vector<16xi32>
    %add3A_292 = arith.addi %rem3A_278, %add3A_291 : vector<16xi32>
    %select_n3A_293 = arith.select %and3A_290, %add3A_292, %rem3A_278 : vector<16xi1>, vector<16xi32>
    %add3A_294 = arith.constant 12 : i32
    %add3A_295 = vector.broadcast %add3A_294 : i32 to vector<16xi32>
    %add3A_296 = arith.addi %iota3A, %add3A_295 : vector<16xi32>
    %jit3A_297 = arith.constant 16 : i32
    %eq3A_298 = arith.constant 0 : i32
    %eq3A_299 = arith.cmpi eq, %jit3A_297, %eq3A_298 : i32
    %jit3A_300 = arith.constant 1 : i32
    %select_n3A_301 = arith.select %eq3A_299, %jit3A_300, %jit3A_297 : i32
    %rem3A_302 = vector.broadcast %select_n3A_301 : i32 to vector<16xi32>
    %rem3A_303 = arith.remsi %add3A_296, %rem3A_302 : vector<16xi32>
    %ne3A_304 = arith.constant 0 : i32
    %ne3A_305 = vector.broadcast %ne3A_304 : i32 to vector<16xi32>
    %ne3A_306 = arith.cmpi ne, %rem3A_303, %ne3A_305 : vector<16xi32>
    %lt3A_307 = arith.constant 0 : i32
    %lt3A_308 = vector.broadcast %lt3A_307 : i32 to vector<16xi32>
    %lt3A_309 = arith.cmpi slt, %rem3A_303, %lt3A_308 : vector<16xi32>
    %lt3A_310 = arith.constant 0 : i32
    %lt3A_311 = arith.cmpi slt, %select_n3A_301, %lt3A_310 : i32
    %ne3A_312 = vector.broadcast %lt3A_311 : i1 to vector<16xi1>
    %ne3A_313 = vector.broadcast %ne3A_312 : vector<16xi1> to vector<16xi1>
    %ne3A_314 = arith.xori %lt3A_309, %ne3A_313 : vector<16xi1>
    %and3A_315 = arith.andi %ne3A_314, %ne3A_306 : vector<16xi1>
    %add3A_316 = vector.broadcast %select_n3A_301 : i32 to vector<16xi32>
    %add3A_317 = arith.addi %rem3A_303, %add3A_316 : vector<16xi32>
    %select_n3A_318 = arith.select %and3A_315, %add3A_317, %rem3A_303 : vector<16xi1>, vector<16xi32>
    %add3A_319 = arith.constant 13 : i32
    %add3A_320 = vector.broadcast %add3A_319 : i32 to vector<16xi32>
    %add3A_321 = arith.addi %iota3A, %add3A_320 : vector<16xi32>
    %jit3A_322 = arith.constant 16 : i32
    %eq3A_323 = arith.constant 0 : i32
    %eq3A_324 = arith.cmpi eq, %jit3A_322, %eq3A_323 : i32
    %jit3A_325 = arith.constant 1 : i32
    %select_n3A_326 = arith.select %eq3A_324, %jit3A_325, %jit3A_322 : i32
    %rem3A_327 = vector.broadcast %select_n3A_326 : i32 to vector<16xi32>
    %rem3A_328 = arith.remsi %add3A_321, %rem3A_327 : vector<16xi32>
    %ne3A_329 = arith.constant 0 : i32
    %ne3A_330 = vector.broadcast %ne3A_329 : i32 to vector<16xi32>
    %ne3A_331 = arith.cmpi ne, %rem3A_328, %ne3A_330 : vector<16xi32>
    %lt3A_332 = arith.constant 0 : i32
    %lt3A_333 = vector.broadcast %lt3A_332 : i32 to vector<16xi32>
    %lt3A_334 = arith.cmpi slt, %rem3A_328, %lt3A_333 : vector<16xi32>
    %lt3A_335 = arith.constant 0 : i32
    %lt3A_336 = arith.cmpi slt, %select_n3A_326, %lt3A_335 : i32
    %ne3A_337 = vector.broadcast %lt3A_336 : i1 to vector<16xi1>
    %ne3A_338 = vector.broadcast %ne3A_337 : vector<16xi1> to vector<16xi1>
    %ne3A_339 = arith.xori %lt3A_334, %ne3A_338 : vector<16xi1>
    %and3A_340 = arith.andi %ne3A_339, %ne3A_331 : vector<16xi1>
    %add3A_341 = vector.broadcast %select_n3A_326 : i32 to vector<16xi32>
    %add3A_342 = arith.addi %rem3A_328, %add3A_341 : vector<16xi32>
    %select_n3A_343 = arith.select %and3A_340, %add3A_342, %rem3A_328 : vector<16xi1>, vector<16xi32>
    %add3A_344 = arith.constant 14 : i32
    %add3A_345 = vector.broadcast %add3A_344 : i32 to vector<16xi32>
    %add3A_346 = arith.addi %iota3A, %add3A_345 : vector<16xi32>
    %jit3A_347 = arith.constant 16 : i32
    %eq3A_348 = arith.constant 0 : i32
    %eq3A_349 = arith.cmpi eq, %jit3A_347, %eq3A_348 : i32
    %jit3A_350 = arith.constant 1 : i32
    %select_n3A_351 = arith.select %eq3A_349, %jit3A_350, %jit3A_347 : i32
    %rem3A_352 = vector.broadcast %select_n3A_351 : i32 to vector<16xi32>
    %rem3A_353 = arith.remsi %add3A_346, %rem3A_352 : vector<16xi32>
    %ne3A_354 = arith.constant 0 : i32
    %ne3A_355 = vector.broadcast %ne3A_354 : i32 to vector<16xi32>
    %ne3A_356 = arith.cmpi ne, %rem3A_353, %ne3A_355 : vector<16xi32>
    %lt3A_357 = arith.constant 0 : i32
    %lt3A_358 = vector.broadcast %lt3A_357 : i32 to vector<16xi32>
    %lt3A_359 = arith.cmpi slt, %rem3A_353, %lt3A_358 : vector<16xi32>
    %lt3A_360 = arith.constant 0 : i32
    %lt3A_361 = arith.cmpi slt, %select_n3A_351, %lt3A_360 : i32
    %ne3A_362 = vector.broadcast %lt3A_361 : i1 to vector<16xi1>
    %ne3A_363 = vector.broadcast %ne3A_362 : vector<16xi1> to vector<16xi1>
    %ne3A_364 = arith.xori %lt3A_359, %ne3A_363 : vector<16xi1>
    %and3A_365 = arith.andi %ne3A_364, %ne3A_356 : vector<16xi1>
    %add3A_366 = vector.broadcast %select_n3A_351 : i32 to vector<16xi32>
    %add3A_367 = arith.addi %rem3A_353, %add3A_366 : vector<16xi32>
    %select_n3A_368 = arith.select %and3A_365, %add3A_367, %rem3A_353 : vector<16xi1>, vector<16xi32>
    %add3A_369 = arith.constant 15 : i32
    %add3A_370 = vector.broadcast %add3A_369 : i32 to vector<16xi32>
    %add3A_371 = arith.addi %iota3A, %add3A_370 : vector<16xi32>
    %jit3A_372 = arith.constant 16 : i32
    %eq3A_373 = arith.constant 0 : i32
    %eq3A_374 = arith.cmpi eq, %jit3A_372, %eq3A_373 : i32
    %jit3A_375 = arith.constant 1 : i32
    %select_n3A_376 = arith.select %eq3A_374, %jit3A_375, %jit3A_372 : i32
    %rem3A_377 = vector.broadcast %select_n3A_376 : i32 to vector<16xi32>
    %rem3A_378 = arith.remsi %add3A_371, %rem3A_377 : vector<16xi32>
    %ne3A_379 = arith.constant 0 : i32
    %ne3A_380 = vector.broadcast %ne3A_379 : i32 to vector<16xi32>
    %ne3A_381 = arith.cmpi ne, %rem3A_378, %ne3A_380 : vector<16xi32>
    %lt3A_382 = arith.constant 0 : i32
    %lt3A_383 = vector.broadcast %lt3A_382 : i32 to vector<16xi32>
    %lt3A_384 = arith.cmpi slt, %rem3A_378, %lt3A_383 : vector<16xi32>
    %lt3A_385 = arith.constant 0 : i32
    %lt3A_386 = arith.cmpi slt, %select_n3A_376, %lt3A_385 : i32
    %ne3A_387 = vector.broadcast %lt3A_386 : i1 to vector<16xi1>
    %ne3A_388 = vector.broadcast %ne3A_387 : vector<16xi1> to vector<16xi1>
    %ne3A_389 = arith.xori %lt3A_384, %ne3A_388 : vector<16xi1>
    %and3A_390 = arith.andi %ne3A_389, %ne3A_381 : vector<16xi1>
    %add3A_391 = vector.broadcast %select_n3A_376 : i32 to vector<16xi32>
    %add3A_392 = arith.addi %rem3A_378, %add3A_391 : vector<16xi32>
    %select_n3A_393 = arith.select %and3A_390, %add3A_392, %rem3A_378 : vector<16xi1>, vector<16xi32>
    %dma_start3A = arith.constant 0 : i32
    %dma_start3A_394 = arith.constant 0 : i32
    %dma_start3A_395 = tpu.memref_slice %arg5[%dma_start3A, %dma_start3A_394] : memref<50x128xi32, #tpu.memory_space<vmem>> -> memref<1x128xi32, #tpu.memory_space<vmem>>
    %dma_start3A_396 = tpu.memref_squeeze %dma_start3A_395 : memref<1x128xi32, #tpu.memory_space<vmem>> -> memref<128xi32, #tpu.memory_space<vmem>>
    %dma_start3A_397 = arith.constant 0 : i32
    %dma_start3A_398 = arith.constant 0 : i32
    %dma_start3A_399 = tpu.memref_slice %arg3[%dma_start3A_397, %dma_start3A_398] : memref<1000x256xf32, #tpu.memory_space<hbm>> -> memref<1000x256xf32, #tpu.memory_space<hbm>>
    tpu.enqueue_indirect_dma source(%dma_start3A_399 : memref<1000x256xf32, #tpu.memory_space<hbm>>) target(%arg6 : memref<128x256xf32, #tpu.memory_space<vmem>>) offsets(%dma_start3A_396 : memref<128xi32, #tpu.memory_space<vmem>>) semaphore(%arg10 : memref<!tpu.dma_semaphore, #tpu.memory_space<semaphore_mem>>)
    %scan3A = arith.constant 0 : i32
    %scan3A_400 = arith.constant 0 : i32
    %scan3A_401 = arith.constant 25 : i32
    %scan3A_402 = arith.addi %scan3A_400, %scan3A_401 : i32
    %scan3A_403 = arith.constant 1 : i32
    scf.for %scan3A_487 = %scan3A_400 to %scan3A_402 step %scan3A_403  : i32 {
      %mul3A_488 = arith.constant 2 : i32
      %mul3A_489 = arith.muli %mul3A_488, %scan3A_487 : i32
      %dma_wait3A_490 = arith.constant 0 : i32
      %dma_wait3A_491 = tpu.memref_slice %arg5[%mul3A_489, %dma_wait3A_490] : memref<50x128xi32, #tpu.memory_space<vmem>> -> memref<1x128xi32, #tpu.memory_space<vmem>>
      %dma_wait3A_492 = tpu.memref_squeeze %dma_wait3A_491 : memref<1x128xi32, #tpu.memory_space<vmem>> -> memref<128xi32, #tpu.memory_space<vmem>>
      %dma_wait3A_493 = arith.constant 0 : i32
      %dma_wait3A_494 = arith.constant 0 : i32
      %dma_wait3A_495 = tpu.memref_slice %arg3[%dma_wait3A_493, %dma_wait3A_494] : memref<1000x256xf32, #tpu.memory_space<hbm>> -> memref<1000x256xf32, #tpu.memory_space<hbm>>
      tpu.wait_indirect_dma semaphore(%arg10 : memref<!tpu.dma_semaphore, #tpu.memory_space<semaphore_mem>>) src(%dma_wait3A_495 : memref<1000x256xf32, #tpu.memory_space<hbm>>) dst(%arg6 : memref<128x256xf32, #tpu.memory_space<vmem>>)
      %gt3A = arith.constant 0 : i32
      %gt3A_496 = arith.cmpi sgt, %scan3A_487, %gt3A : i32
      %convert_element_type3A = arith.extui %gt3A_496 : i1 to i32
      %cond3A = arith.constant 0 : i32
      %cond3A_497 = arith.cmpi ne, %convert_element_type3A, %cond3A : i32
      scf.if %cond3A_497 {
        %sub3A_615 = arith.constant 2 : i32
        %sub3A_616 = arith.subi %mul3A_489, %sub3A_615 : i32
        %mul3A_617 = arith.constant 50 : i32
        %mul3A_618 = arith.muli %add3A, %mul3A_617 : i32
        %add3A_619 = arith.addi %mul3A_618, %sub3A_616 : i32
        %jit3A_620 = arith.constant 8 : i32
        %div3A_621 = arith.divsi %add3A_619, %jit3A_620 : i32
        %sign3A_622 = arith.constant 0 : i32
        %sign3A_623 = arith.cmpi sgt, %add3A_619, %sign3A_622 : i32
        %sign3A_624 = arith.extui %sign3A_623 : i1 to i32
        %sign3A_625 = arith.constant 0 : i32
        %sign3A_626 = arith.cmpi slt, %add3A_619, %sign3A_625 : i32
        %sign3A_627 = arith.extui %sign3A_626 : i1 to i32
        %sign3A_628 = arith.subi %sign3A_624, %sign3A_627 : i32
        %sign3A_629 = arith.constant 0 : i32
        %sign3A_630 = arith.cmpi sgt, %jit3A_620, %sign3A_629 : i32
        %sign3A_631 = arith.extui %sign3A_630 : i1 to i32
        %sign3A_632 = arith.constant 0 : i32
        %sign3A_633 = arith.cmpi slt, %jit3A_620, %sign3A_632 : i32
        %sign3A_634 = arith.extui %sign3A_633 : i1 to i32
        %sign3A_635 = arith.subi %sign3A_631, %sign3A_634 : i32
        %ne3A_636 = arith.cmpi ne, %sign3A_628, %sign3A_635 : i32
        %rem3A_637 = arith.remsi %add3A_619, %jit3A_620 : i32
        %ne3A_638 = arith.constant 0 : i32
        %ne3A_639 = arith.cmpi ne, %rem3A_637, %ne3A_638 : i32
        %and3A_640 = arith.andi %ne3A_636, %ne3A_639 : i1
        %sub3A_641 = arith.constant 1 : i32
        %sub3A_642 = arith.subi %div3A_621, %sub3A_641 : i32
        %select_n3A_643 = arith.select %and3A_640, %sub3A_642, %div3A_621 : i32
        %mul3A_644 = arith.constant 8 : i32
        %mul3A_645 = arith.muli %select_n3A_643, %mul3A_644 : i32
        %sub3A_646 = arith.subi %add3A_619, %mul3A_645 : i32
        %mul3A_647 = arith.constant 200 : i32
        %mul3A_648 = arith.muli %select_n3A_643, %mul3A_647 : i32
        %mul3A_649 = arith.constant 128 : i32
        %mul3A_650 = arith.muli %sub3A_646, %mul3A_649 : i32
        %dma_wait3A_651 = arith.constant 0 : i32
        %dma_wait3A_652 = arith.constant 0 : i32
        %dma_wait3A_653 = tpu.memref_slice %arg8[%dma_wait3A_651, %dma_wait3A_652] : memref<208x128xf32, #tpu.memory_space<vmem>> -> memref<200x128xf32, #tpu.memory_space<vmem>>
        %dma_wait3A_654 = tpu.memref_slice %arg4[%mul3A_648, %mul3A_650] : memref<40000x1024xf32, #tpu.memory_space<hbm>> -> memref<200x128xf32, #tpu.memory_space<hbm>>
        %dma_wait3A_655 = tpu.memref_slice %arg4[%mul3A_648, %mul3A_650] : memref<40000x1024xf32, #tpu.memory_space<hbm>> -> memref<200x128xf32, #tpu.memory_space<hbm>>
        %dma_wait3A_656 = arith.constant 0 : i32
        %dma_wait3A_657 = arith.constant 0 : i32
        %dma_wait3A_658 = tpu.memref_slice %arg8[%dma_wait3A_656, %dma_wait3A_657] : memref<208x128xf32, #tpu.memory_space<vmem>> -> memref<200x128xf32, #tpu.memory_space<vmem>>
        tpu.wait_dma2 semaphore(%arg12 : memref<!tpu.dma_semaphore, #tpu.memory_space<semaphore_mem>>) src(%dma_wait3A_658 : memref<200x128xf32, #tpu.memory_space<vmem>>) dst(%dma_wait3A_655 : memref<200x128xf32, #tpu.memory_space<hbm>>)
      } else {
      }
      %add3A_498 = arith.constant 1 : i32
      %add3A_499 = arith.addi %mul3A_489, %add3A_498 : i32
      %dma_start3A_500 = arith.constant 0 : i32
      %dma_start3A_501 = tpu.memref_slice %arg5[%add3A_499, %dma_start3A_500] : memref<50x128xi32, #tpu.memory_space<vmem>> -> memref<1x128xi32, #tpu.memory_space<vmem>>
      %dma_start3A_502 = tpu.memref_squeeze %dma_start3A_501 : memref<1x128xi32, #tpu.memory_space<vmem>> -> memref<128xi32, #tpu.memory_space<vmem>>
      %dma_start3A_503 = arith.constant 0 : i32
      %dma_start3A_504 = arith.constant 0 : i32
      %dma_start3A_505 = tpu.memref_slice %arg3[%dma_start3A_503, %dma_start3A_504] : memref<1000x256xf32, #tpu.memory_space<hbm>> -> memref<1000x256xf32, #tpu.memory_space<hbm>>
      tpu.enqueue_indirect_dma source(%dma_start3A_505 : memref<1000x256xf32, #tpu.memory_space<hbm>>) target(%arg7 : memref<128x256xf32, #tpu.memory_space<vmem>>) offsets(%dma_start3A_502 : memref<128xi32, #tpu.memory_space<vmem>>) semaphore(%arg11 : memref<!tpu.dma_semaphore, #tpu.memory_space<semaphore_mem>>)
      %parallel_loop3A = arith.constant 0 : i32
      %parallel_loop3A_506 = arith.constant 104 : i32
      %parallel_loop3A_507 = arith.constant 1 : i32
      scf.for %parallel_loop3A_615 = %parallel_loop3A to %parallel_loop3A_506 step %parallel_loop3A_507  : i32 {
        %parallel_loop3A_616 = arith.constant 8 : i32
        %parallel_loop3A_617 = arith.divsi %parallel_loop3A_615, %parallel_loop3A_616 : i32
        %parallel_loop3A_618 = arith.constant 0 : i32
        %parallel_loop3A_619 = arith.cmpi sgt, %parallel_loop3A_615, %parallel_loop3A_618 : i32
        %parallel_loop3A_620 = arith.extui %parallel_loop3A_619 : i1 to i32
        %parallel_loop3A_621 = arith.constant 0 : i32
        %parallel_loop3A_622 = arith.cmpi slt, %parallel_loop3A_615, %parallel_loop3A_621 : i32
        %parallel_loop3A_623 = arith.extui %parallel_loop3A_622 : i1 to i32
        %parallel_loop3A_624 = arith.subi %parallel_loop3A_620, %parallel_loop3A_623 : i32
        %parallel_loop3A_625 = arith.constant 0 : i32
        %parallel_loop3A_626 = arith.cmpi sgt, %parallel_loop3A_616, %parallel_loop3A_625 : i32
        %parallel_loop3A_627 = arith.extui %parallel_loop3A_626 : i1 to i32
        %parallel_loop3A_628 = arith.constant 0 : i32
        %parallel_loop3A_629 = arith.cmpi slt, %parallel_loop3A_616, %parallel_loop3A_628 : i32
        %parallel_loop3A_630 = arith.extui %parallel_loop3A_629 : i1 to i32
        %parallel_loop3A_631 = arith.subi %parallel_loop3A_627, %parallel_loop3A_630 : i32
        %parallel_loop3A_632 = arith.cmpi ne, %parallel_loop3A_624, %parallel_loop3A_631 : i32
        %parallel_loop3A_633 = arith.remsi %parallel_loop3A_615, %parallel_loop3A_616 : i32
        %parallel_loop3A_634 = arith.constant 0 : i32
        %parallel_loop3A_635 = arith.cmpi ne, %parallel_loop3A_633, %parallel_loop3A_634 : i32
        %parallel_loop3A_636 = arith.andi %parallel_loop3A_632, %parallel_loop3A_635 : i1
        %parallel_loop3A_637 = arith.constant 1 : i32
        %parallel_loop3A_638 = arith.subi %parallel_loop3A_617, %parallel_loop3A_637 : i32
        %parallel_loop3A_639 = arith.select %parallel_loop3A_636, %parallel_loop3A_638, %parallel_loop3A_617 : i32
        %parallel_loop3A_640 = arith.constant 8 : i32
        %parallel_loop3A_641 = arith.muli %parallel_loop3A_639, %parallel_loop3A_640 : i32
        %parallel_loop3A_642 = arith.subi %parallel_loop3A_615, %parallel_loop3A_641 : i32
        %parallel_loop3A_643 = arith.constant 16 : i32
        %parallel_loop3A_644 = arith.muli %parallel_loop3A_639, %parallel_loop3A_643 : i32
        %parallel_loop3A_645 = vector.broadcast %parallel_loop3A_644 : i32 to vector<16xi32>
        %parallel_loop3A_646 = arith.addi %parallel_loop3A_645, %iota3A : vector<16xi32>
        %parallel_loop3A_647 = arith.constant 16 : i32
        %parallel_loop3A_648 = arith.muli %parallel_loop3A_642, %parallel_loop3A_647 : i32
        %parallel_loop3A_649 = vector.broadcast %parallel_loop3A_648 : i32 to vector<16xi32>
        %parallel_loop3A_650 = arith.addi %parallel_loop3A_649, %select_n3A_18 : vector<16xi32>
        %parallel_loop3A_651 = tpu.vector_load_idx %arg6[%parallel_loop3A_650, %parallel_loop3A_646] : memref<128x256xf32, #tpu.memory_space<vmem>>[vector<16xi32>, vector<16xi32>], vector<16xf32>,
        tpu.vector_store_idx %arg8[%parallel_loop3A_646, %parallel_loop3A_650], %parallel_loop3A_651 : memref<208x128xf32, #tpu.memory_space<vmem>>[vector<16xi32>, vector<16xi32>], vector<16xf32>,
        %parallel_loop3A_652 = arith.constant 16 : i32
        %parallel_loop3A_653 = arith.muli %parallel_loop3A_642, %parallel_loop3A_652 : i32
        %parallel_loop3A_654 = vector.broadcast %parallel_loop3A_653 : i32 to vector<16xi32>
        %parallel_loop3A_655 = arith.addi %parallel_loop3A_654, %select_n3A_43 : vector<16xi32>
        %parallel_loop3A_656 = tpu.vector_load_idx %arg6[%parallel_loop3A_655, %parallel_loop3A_646] : memref<128x256xf32, #tpu.memory_space<vmem>>[vector<16xi32>, vector<16xi32>], vector<16xf32>,
        tpu.vector_store_idx %arg8[%parallel_loop3A_646, %parallel_loop3A_655], %parallel_loop3A_656 : memref<208x128xf32, #tpu.memory_space<vmem>>[vector<16xi32>, vector<16xi32>], vector<16xf32>,
        %parallel_loop3A_657 = arith.constant 16 : i32
        %parallel_loop3A_658 = arith.muli %parallel_loop3A_642, %parallel_loop3A_657 : i32
        %parallel_loop3A_659 = vector.broadcast %parallel_loop3A_658 : i32 to vector<16xi32>
        %parallel_loop3A_660 = arith.addi %parallel_loop3A_659, %select_n3A_68 : vector<16xi32>
        %parallel_loop3A_661 = tpu.vector_load_idx %arg6[%parallel_loop3A_660, %parallel_loop3A_646] : memref<128x256xf32, #tpu.memory_space<vmem>>[vector<16xi32>, vector<16xi32>], vector<16xf32>,
        tpu.vector_store_idx %arg8[%parallel_loop3A_646, %parallel_loop3A_660], %parallel_loop3A_661 : memref<208x128xf32, #tpu.memory_space<vmem>>[vector<16xi32>, vector<16xi32>], vector<16xf32>,
        %parallel_loop3A_662 = arith.constant 16 : i32
        %parallel_loop3A_663 = arith.muli %parallel_loop3A_642, %parallel_loop3A_662 : i32
        %parallel_loop3A_664 = vector.broadcast %parallel_loop3A_663 : i32 to vector<16xi32>
        %parallel_loop3A_665 = arith.addi %parallel_loop3A_664, %select_n3A_93 : vector<16xi32>
        %parallel_loop3A_666 = tpu.vector_load_idx %arg6[%parallel_loop3A_665, %parallel_loop3A_646] : memref<128x256xf32, #tpu.memory_space<vmem>>[vector<16xi32>, vector<16xi32>], vector<16xf32>,
        tpu.vector_store_idx %arg8[%parallel_loop3A_646, %parallel_loop3A_665], %parallel_loop3A_666 : memref<208x128xf32, #tpu.memory_space<vmem>>[vector<16xi32>, vector<16xi32>], vector<16xf32>,
        %parallel_loop3A_667 = arith.constant 16 : i32
        %parallel_loop3A_668 = arith.muli %parallel_loop3A_642, %parallel_loop3A_667 : i32
        %parallel_loop3A_669 = vector.broadcast %parallel_loop3A_668 : i32 to vector<16xi32>
        %parallel_loop3A_670 = arith.addi %parallel_loop3A_669, %select_n3A_118 : vector<16xi32>
        %parallel_loop3A_671 = tpu.vector_load_idx %arg6[%parallel_loop3A_670, %parallel_loop3A_646] : memref<128x256xf32, #tpu.memory_space<vmem>>[vector<16xi32>, vector<16xi32>], vector<16xf32>,
        tpu.vector_store_idx %arg8[%parallel_loop3A_646, %parallel_loop3A_670], %parallel_loop3A_671 : memref<208x128xf32, #tpu.memory_space<vmem>>[vector<16xi32>, vector<16xi32>], vector<16xf32>,
        %parallel_loop3A_672 = arith.constant 16 : i32
        %parallel_loop3A_673 = arith.muli %parallel_loop3A_642, %parallel_loop3A_672 : i32
        %parallel_loop3A_674 = vector.broadcast %parallel_loop3A_673 : i32 to vector<16xi32>
        %parallel_loop3A_675 = arith.addi %parallel_loop3A_674, %select_n3A_143 : vector<16xi32>
        %parallel_loop3A_676 = tpu.vector_load_idx %arg6[%parallel_loop3A_675, %parallel_loop3A_646] : memref<128x256xf32, #tpu.memory_space<vmem>>[vector<16xi32>, vector<16xi32>], vector<16xf32>,
        tpu.vector_store_idx %arg8[%parallel_loop3A_646, %parallel_loop3A_675], %parallel_loop3A_676 : memref<208x128xf32, #tpu.memory_space<vmem>>[vector<16xi32>, vector<16xi32>], vector<16xf32>,
        %parallel_loop3A_677 = arith.constant 16 : i32
        %parallel_loop3A_678 = arith.muli %parallel_loop3A_642, %parallel_loop3A_677 : i32
        %parallel_loop3A_679 = vector.broadcast %parallel_loop3A_678 : i32 to vector<16xi32>
        %parallel_loop3A_680 = arith.addi %parallel_loop3A_679, %select_n3A_168 : vector<16xi32>
        %parallel_loop3A_681 = tpu.vector_load_idx %arg6[%parallel_loop3A_680, %parallel_loop3A_646] : memref<128x256xf32, #tpu.memory_space<vmem>>[vector<16xi32>, vector<16xi32>], vector<16xf32>,
        tpu.vector_store_idx %arg8[%parallel_loop3A_646, %parallel_loop3A_680], %parallel_loop3A_681 : memref<208x128xf32, #tpu.memory_space<vmem>>[vector<16xi32>, vector<16xi32>], vector<16xf32>,
        %parallel_loop3A_682 = arith.constant 16 : i32
        %parallel_loop3A_683 = arith.muli %parallel_loop3A_642, %parallel_loop3A_682 : i32
        %parallel_loop3A_684 = vector.broadcast %parallel_loop3A_683 : i32 to vector<16xi32>
        %parallel_loop3A_685 = arith.addi %parallel_loop3A_684, %select_n3A_193 : vector<16xi32>
        %parallel_loop3A_686 = tpu.vector_load_idx %arg6[%parallel_loop3A_685, %parallel_loop3A_646] : memref<128x256xf32, #tpu.memory_space<vmem>>[vector<16xi32>, vector<16xi32>], vector<16xf32>,
        tpu.vector_store_idx %arg8[%parallel_loop3A_646, %parallel_loop3A_685], %parallel_loop3A_686 : memref<208x128xf32, #tpu.memory_space<vmem>>[vector<16xi32>, vector<16xi32>], vector<16xf32>,
        %parallel_loop3A_687 = arith.constant 16 : i32
        %parallel_loop3A_688 = arith.muli %parallel_loop3A_642, %parallel_loop3A_687 : i32
        %parallel_loop3A_689 = vector.broadcast %parallel_loop3A_688 : i32 to vector<16xi32>
        %parallel_loop3A_690 = arith.addi %parallel_loop3A_689, %select_n3A_218 : vector<16xi32>
        %parallel_loop3A_691 = tpu.vector_load_idx %arg6[%parallel_loop3A_690, %parallel_loop3A_646] : memref<128x256xf32, #tpu.memory_space<vmem>>[vector<16xi32>, vector<16xi32>], vector<16xf32>,
        tpu.vector_store_idx %arg8[%parallel_loop3A_646, %parallel_loop3A_690], %parallel_loop3A_691 : memref<208x128xf32, #tpu.memory_space<vmem>>[vector<16xi32>, vector<16xi32>], vector<16xf32>,
        %parallel_loop3A_692 = arith.constant 16 : i32
        %parallel_loop3A_693 = arith.muli %parallel_loop3A_642, %parallel_loop3A_692 : i32
        %parallel_loop3A_694 = vector.broadcast %parallel_loop3A_693 : i32 to vector<16xi32>
        %parallel_loop3A_695 = arith.addi %parallel_loop3A_694, %select_n3A_243 : vector<16xi32>
        %parallel_loop3A_696 = tpu.vector_load_idx %arg6[%parallel_loop3A_695, %parallel_loop3A_646] : memref<128x256xf32, #tpu.memory_space<vmem>>[vector<16xi32>, vector<16xi32>], vector<16xf32>,
        tpu.vector_store_idx %arg8[%parallel_loop3A_646, %parallel_loop3A_695], %parallel_loop3A_696 : memref<208x128xf32, #tpu.memory_space<vmem>>[vector<16xi32>, vector<16xi32>], vector<16xf32>,
        %parallel_loop3A_697 = arith.constant 16 : i32
        %parallel_loop3A_698 = arith.muli %parallel_loop3A_642, %parallel_loop3A_697 : i32
        %parallel_loop3A_699 = vector.broadcast %parallel_loop3A_698 : i32 to vector<16xi32>
        %parallel_loop3A_700 = arith.addi %parallel_loop3A_699, %select_n3A_268 : vector<16xi32>
        %parallel_loop3A_701 = tpu.vector_load_idx %arg6[%parallel_loop3A_700, %parallel_loop3A_646] : memref<128x256xf32, #tpu.memory_space<vmem>>[vector<16xi32>, vector<16xi32>], vector<16xf32>,
        tpu.vector_store_idx %arg8[%parallel_loop3A_646, %parallel_loop3A_700], %parallel_loop3A_701 : memref<208x128xf32, #tpu.memory_space<vmem>>[vector<16xi32>, vector<16xi32>], vector<16xf32>,
        %parallel_loop3A_702 = arith.constant 16 : i32
        %parallel_loop3A_703 = arith.muli %parallel_loop3A_642, %parallel_loop3A_702 : i32
        %parallel_loop3A_704 = vector.broadcast %parallel_loop3A_703 : i32 to vector<16xi32>
        %parallel_loop3A_705 = arith.addi %parallel_loop3A_704, %select_n3A_293 : vector<16xi32>
        %parallel_loop3A_706 = tpu.vector_load_idx %arg6[%parallel_loop3A_705, %parallel_loop3A_646] : memref<128x256xf32, #tpu.memory_space<vmem>>[vector<16xi32>, vector<16xi32>], vector<16xf32>,
        tpu.vector_store_idx %arg8[%parallel_loop3A_646, %parallel_loop3A_705], %parallel_loop3A_706 : memref<208x128xf32, #tpu.memory_space<vmem>>[vector<16xi32>, vector<16xi32>], vector<16xf32>,
        %parallel_loop3A_707 = arith.constant 16 : i32
        %parallel_loop3A_708 = arith.muli %parallel_loop3A_642, %parallel_loop3A_707 : i32
        %parallel_loop3A_709 = vector.broadcast %parallel_loop3A_708 : i32 to vector<16xi32>
        %parallel_loop3A_710 = arith.addi %parallel_loop3A_709, %select_n3A_318 : vector<16xi32>
        %parallel_loop3A_711 = tpu.vector_load_idx %arg6[%parallel_loop3A_710, %parallel_loop3A_646] : memref<128x256xf32, #tpu.memory_space<vmem>>[vector<16xi32>, vector<16xi32>], vector<16xf32>,
        tpu.vector_store_idx %arg8[%parallel_loop3A_646, %parallel_loop3A_710], %parallel_loop3A_711 : memref<208x128xf32, #tpu.memory_space<vmem>>[vector<16xi32>, vector<16xi32>], vector<16xf32>,
        %parallel_loop3A_712 = arith.constant 16 : i32
        %parallel_loop3A_713 = arith.muli %parallel_loop3A_642, %parallel_loop3A_712 : i32
        %parallel_loop3A_714 = vector.broadcast %parallel_loop3A_713 : i32 to vector<16xi32>
        %parallel_loop3A_715 = arith.addi %parallel_loop3A_714, %select_n3A_343 : vector<16xi32>
        %parallel_loop3A_716 = tpu.vector_load_idx %arg6[%parallel_loop3A_715, %parallel_loop3A_646] : memref<128x256xf32, #tpu.memory_space<vmem>>[vector<16xi32>, vector<16xi32>], vector<16xf32>,
        tpu.vector_store_idx %arg8[%parallel_loop3A_646, %parallel_loop3A_715], %parallel_loop3A_716 : memref<208x128xf32, #tpu.memory_space<vmem>>[vector<16xi32>, vector<16xi32>], vector<16xf32>,
        %parallel_loop3A_717 = arith.constant 16 : i32
        %parallel_loop3A_718 = arith.muli %parallel_loop3A_642, %parallel_loop3A_717 : i32
        %parallel_loop3A_719 = vector.broadcast %parallel_loop3A_718 : i32 to vector<16xi32>
        %parallel_loop3A_720 = arith.addi %parallel_loop3A_719, %select_n3A_368 : vector<16xi32>
        %parallel_loop3A_721 = tpu.vector_load_idx %arg6[%parallel_loop3A_720, %parallel_loop3A_646] : memref<128x256xf32, #tpu.memory_space<vmem>>[vector<16xi32>, vector<16xi32>], vector<16xf32>,
        tpu.vector_store_idx %arg8[%parallel_loop3A_646, %parallel_loop3A_720], %parallel_loop3A_721 : memref<208x128xf32, #tpu.memory_space<vmem>>[vector<16xi32>, vector<16xi32>], vector<16xf32>,
        %parallel_loop3A_722 = arith.constant 16 : i32
        %parallel_loop3A_723 = arith.muli %parallel_loop3A_642, %parallel_loop3A_722 : i32
        %parallel_loop3A_724 = vector.broadcast %parallel_loop3A_723 : i32 to vector<16xi32>
        %parallel_loop3A_725 = arith.addi %parallel_loop3A_724, %select_n3A_393 : vector<16xi32>
        %parallel_loop3A_726 = tpu.vector_load_idx %arg6[%parallel_loop3A_725, %parallel_loop3A_646] : memref<128x256xf32, #tpu.memory_space<vmem>>[vector<16xi32>, vector<16xi32>], vector<16xf32>,
        tpu.vector_store_idx %arg8[%parallel_loop3A_646, %parallel_loop3A_725], %parallel_loop3A_726 : memref<208x128xf32, #tpu.memory_space<vmem>>[vector<16xi32>, vector<16xi32>], vector<16xf32>,
      } {sc.loop_unroll_factor = 1 : i64, sc.parallel_access}
      %mul3A_508 = arith.constant 50 : i32
      %mul3A_509 = arith.muli %add3A, %mul3A_508 : i32
      %add3A_510 = arith.addi %mul3A_509, %mul3A_489 : i32
      %jit3A_511 = arith.constant 8 : i32
      %div3A_512 = arith.divsi %add3A_510, %jit3A_511 : i32
      %sign3A_513 = arith.constant 0 : i32
      %sign3A_514 = arith.cmpi sgt, %add3A_510, %sign3A_513 : i32
      %sign3A_515 = arith.extui %sign3A_514 : i1 to i32
      %sign3A_516 = arith.constant 0 : i32
      %sign3A_517 = arith.cmpi slt, %add3A_510, %sign3A_516 : i32
      %sign3A_518 = arith.extui %sign3A_517 : i1 to i32
      %sign3A_519 = arith.subi %sign3A_515, %sign3A_518 : i32
      %sign3A_520 = arith.constant 0 : i32
      %sign3A_521 = arith.cmpi sgt, %jit3A_511, %sign3A_520 : i32
      %sign3A_522 = arith.extui %sign3A_521 : i1 to i32
      %sign3A_523 = arith.constant 0 : i32
      %sign3A_524 = arith.cmpi slt, %jit3A_511, %sign3A_523 : i32
      %sign3A_525 = arith.extui %sign3A_524 : i1 to i32
      %sign3A_526 = arith.subi %sign3A_522, %sign3A_525 : i32
      %ne3A_527 = arith.cmpi ne, %sign3A_519, %sign3A_526 : i32
      %rem3A_528 = arith.remsi %add3A_510, %jit3A_511 : i32
      %ne3A_529 = arith.constant 0 : i32
      %ne3A_530 = arith.cmpi ne, %rem3A_528, %ne3A_529 : i32
      %and3A_531 = arith.andi %ne3A_527, %ne3A_530 : i1
      %sub3A_532 = arith.constant 1 : i32
      %sub3A_533 = arith.subi %div3A_512, %sub3A_532 : i32
      %select_n3A_534 = arith.select %and3A_531, %sub3A_533, %div3A_512 : i32
      %mul3A_535 = arith.constant 8 : i32
      %mul3A_536 = arith.muli %select_n3A_534, %mul3A_535 : i32
      %sub3A_537 = arith.subi %add3A_510, %mul3A_536 : i32
      %mul3A_538 = arith.constant 200 : i32
      %mul3A_539 = arith.muli %select_n3A_534, %mul3A_538 : i32
      %mul3A_540 = arith.constant 128 : i32
      %mul3A_541 = arith.muli %sub3A_537, %mul3A_540 : i32
      %dma_start3A_542 = arith.constant 0 : i32
      %dma_start3A_543 = arith.constant 0 : i32
      %dma_start3A_544 = tpu.memref_slice %arg8[%dma_start3A_542, %dma_start3A_543] : memref<208x128xf32, #tpu.memory_space<vmem>> -> memref<200x128xf32, #tpu.memory_space<vmem>>
      %dma_start3A_545 = tpu.memref_slice %arg4[%mul3A_539, %mul3A_541] : memref<40000x1024xf32, #tpu.memory_space<hbm>> -> memref<200x128xf32, #tpu.memory_space<hbm>>
      %dma_start3A_546 = tpu.memref_slice %arg4[%mul3A_539, %mul3A_541] : memref<40000x1024xf32, #tpu.memory_space<hbm>> -> memref<200x128xf32, #tpu.memory_space<hbm>>
      %dma_start3A_547 = arith.constant 0 : i32
      %dma_start3A_548 = arith.constant 0 : i32
      %dma_start3A_549 = tpu.memref_slice %arg8[%dma_start3A_547, %dma_start3A_548] : memref<208x128xf32, #tpu.memory_space<vmem>> -> memref<200x128xf32, #tpu.memory_space<vmem>>
      tpu.enqueue_dma source(%dma_start3A_549 : memref<200x128xf32, #tpu.memory_space<vmem>>) target(%dma_start3A_546 : memref<200x128xf32, #tpu.memory_space<hbm>>) target_semaphore(%arg12 : memref<!tpu.dma_semaphore, #tpu.memory_space<semaphore_mem>>)
      %add3A_550 = arith.constant 1 : i32
      %add3A_551 = arith.addi %mul3A_489, %add3A_550 : i32
      %dma_wait3A_552 = arith.constant 0 : i32
      %dma_wait3A_553 = tpu.memref_slice %arg5[%add3A_551, %dma_wait3A_552] : memref<50x128xi32, #tpu.memory_space<vmem>> -> memref<1x128xi32, #tpu.memory_space<vmem>>
      %dma_wait3A_554 = tpu.memref_squeeze %dma_wait3A_553 : memref<1x128xi32, #tpu.memory_space<vmem>> -> memref<128xi32, #tpu.memory_space<vmem>>
      %dma_wait3A_555 = arith.constant 0 : i32
      %dma_wait3A_556 = arith.constant 0 : i32
      %dma_wait3A_557 = tpu.memref_slice %arg3[%dma_wait3A_555, %dma_wait3A_556] : memref<1000x256xf32, #tpu.memory_space<hbm>> -> memref<1000x256xf32, #tpu.memory_space<hbm>>
      tpu.wait_indirect_dma semaphore(%arg11 : memref<!tpu.dma_semaphore, #tpu.memory_space<semaphore_mem>>) src(%dma_wait3A_557 : memref<1000x256xf32, #tpu.memory_space<hbm>>) dst(%arg7 : memref<128x256xf32, #tpu.memory_space<vmem>>)
      %gt3A_558 = arith.constant 0 : i32
      %gt3A_559 = arith.cmpi sgt, %scan3A_487, %gt3A_558 : i32
      %convert_element_type3A_560 = arith.extui %gt3A_559 : i1 to i32
      %cond3A_561 = arith.constant 0 : i32
      %cond3A_562 = arith.cmpi ne, %convert_element_type3A_560, %cond3A_561 : i32
      scf.if %cond3A_562 {
        %sub3A_615 = arith.constant 1 : i32
        %sub3A_616 = arith.subi %mul3A_489, %sub3A_615 : i32
        %mul3A_617 = arith.constant 50 : i32
        %mul3A_618 = arith.muli %add3A, %mul3A_617 : i32
        %add3A_619 = arith.addi %mul3A_618, %sub3A_616 : i32
        %jit3A_620 = arith.constant 8 : i32
        %div3A_621 = arith.divsi %add3A_619, %jit3A_620 : i32
        %sign3A_622 = arith.constant 0 : i32
        %sign3A_623 = arith.cmpi sgt, %add3A_619, %sign3A_622 : i32
        %sign3A_624 = arith.extui %sign3A_623 : i1 to i32
        %sign3A_625 = arith.constant 0 : i32
        %sign3A_626 = arith.cmpi slt, %add3A_619, %sign3A_625 : i32
        %sign3A_627 = arith.extui %sign3A_626 : i1 to i32
        %sign3A_628 = arith.subi %sign3A_624, %sign3A_627 : i32
        %sign3A_629 = arith.constant 0 : i32
        %sign3A_630 = arith.cmpi sgt, %jit3A_620, %sign3A_629 : i32
        %sign3A_631 = arith.extui %sign3A_630 : i1 to i32
        %sign3A_632 = arith.constant 0 : i32
        %sign3A_633 = arith.cmpi slt, %jit3A_620, %sign3A_632 : i32
        %sign3A_634 = arith.extui %sign3A_633 : i1 to i32
        %sign3A_635 = arith.subi %sign3A_631, %sign3A_634 : i32
        %ne3A_636 = arith.cmpi ne, %sign3A_628, %sign3A_635 : i32
        %rem3A_637 = arith.remsi %add3A_619, %jit3A_620 : i32
        %ne3A_638 = arith.constant 0 : i32
        %ne3A_639 = arith.cmpi ne, %rem3A_637, %ne3A_638 : i32
        %and3A_640 = arith.andi %ne3A_636, %ne3A_639 : i1
        %sub3A_641 = arith.constant 1 : i32
        %sub3A_642 = arith.subi %div3A_621, %sub3A_641 : i32
        %select_n3A_643 = arith.select %and3A_640, %sub3A_642, %div3A_621 : i32
        %mul3A_644 = arith.constant 8 : i32
        %mul3A_645 = arith.muli %select_n3A_643, %mul3A_644 : i32
        %sub3A_646 = arith.subi %add3A_619, %mul3A_645 : i32
        %mul3A_647 = arith.constant 200 : i32
        %mul3A_648 = arith.muli %select_n3A_643, %mul3A_647 : i32
        %mul3A_649 = arith.constant 128 : i32
        %mul3A_650 = arith.muli %sub3A_646, %mul3A_649 : i32
        %dma_wait3A_651 = arith.constant 0 : i32
        %dma_wait3A_652 = arith.constant 0 : i32
        %dma_wait3A_653 = tpu.memref_slice %arg9[%dma_wait3A_651, %dma_wait3A_652] : memref<208x128xf32, #tpu.memory_space<vmem>> -> memref<200x128xf32, #tpu.memory_space<vmem>>
        %dma_wait3A_654 = tpu.memref_slice %arg4[%mul3A_648, %mul3A_650] : memref<40000x1024xf32, #tpu.memory_space<hbm>> -> memref<200x128xf32, #tpu.memory_space<hbm>>
        %dma_wait3A_655 = tpu.memref_slice %arg4[%mul3A_648, %mul3A_650] : memref<40000x1024xf32, #tpu.memory_space<hbm>> -> memref<200x128xf32, #tpu.memory_space<hbm>>
        %dma_wait3A_656 = arith.constant 0 : i32
        %dma_wait3A_657 = arith.constant 0 : i32
        %dma_wait3A_658 = tpu.memref_slice %arg9[%dma_wait3A_656, %dma_wait3A_657] : memref<208x128xf32, #tpu.memory_space<vmem>> -> memref<200x128xf32, #tpu.memory_space<vmem>>
        tpu.wait_dma2 semaphore(%arg13 : memref<!tpu.dma_semaphore, #tpu.memory_space<semaphore_mem>>) src(%dma_wait3A_658 : memref<200x128xf32, #tpu.memory_space<vmem>>) dst(%dma_wait3A_655 : memref<200x128xf32, #tpu.memory_space<hbm>>)
      } else {
      }
      %lt3A_563 = arith.constant 24 : i32
      %lt3A_564 = arith.cmpi slt, %scan3A_487, %lt3A_563 : i32
      %convert_element_type3A_565 = arith.extui %lt3A_564 : i1 to i32
      %cond3A_566 = arith.constant 0 : i32
      %cond3A_567 = arith.cmpi ne, %convert_element_type3A_565, %cond3A_566 : i32
      scf.if %cond3A_567 {
        %add3A_615 = arith.constant 2 : i32
        %add3A_616 = arith.addi %mul3A_489, %add3A_615 : i32
        %dma_start3A_617 = arith.constant 0 : i32
        %dma_start3A_618 = tpu.memref_slice %arg5[%add3A_616, %dma_start3A_617] : memref<50x128xi32, #tpu.memory_space<vmem>> -> memref<1x128xi32, #tpu.memory_space<vmem>>
        %dma_start3A_619 = tpu.memref_squeeze %dma_start3A_618 : memref<1x128xi32, #tpu.memory_space<vmem>> -> memref<128xi32, #tpu.memory_space<vmem>>
        %dma_start3A_620 = arith.constant 0 : i32
        %dma_start3A_621 = arith.constant 0 : i32
        %dma_start3A_622 = tpu.memref_slice %arg3[%dma_start3A_620, %dma_start3A_621] : memref<1000x256xf32, #tpu.memory_space<hbm>> -> memref<1000x256xf32, #tpu.memory_space<hbm>>
        tpu.enqueue_indirect_dma source(%dma_start3A_622 : memref<1000x256xf32, #tpu.memory_space<hbm>>) target(%arg6 : memref<128x256xf32, #tpu.memory_space<vmem>>) offsets(%dma_start3A_619 : memref<128xi32, #tpu.memory_space<vmem>>) semaphore(%arg10 : memref<!tpu.dma_semaphore, #tpu.memory_space<semaphore_mem>>)
      } else {
      }
      %parallel_loop3A_568 = arith.constant 0 : i32
      %parallel_loop3A_569 = arith.constant 104 : i32
      %parallel_loop3A_570 = arith.constant 1 : i32
      scf.for %parallel_loop3A_615 = %parallel_loop3A_568 to %parallel_loop3A_569 step %parallel_loop3A_570  : i32 {
        %parallel_loop3A_616 = arith.constant 8 : i32
        %parallel_loop3A_617 = arith.divsi %parallel_loop3A_615, %parallel_loop3A_616 : i32
        %parallel_loop3A_618 = arith.constant 0 : i32
        %parallel_loop3A_619 = arith.cmpi sgt, %parallel_loop3A_615, %parallel_loop3A_618 : i32
        %parallel_loop3A_620 = arith.extui %parallel_loop3A_619 : i1 to i32
        %parallel_loop3A_621 = arith.constant 0 : i32
        %parallel_loop3A_622 = arith.cmpi slt, %parallel_loop3A_615, %parallel_loop3A_621 : i32
        %parallel_loop3A_623 = arith.extui %parallel_loop3A_622 : i1 to i32
        %parallel_loop3A_624 = arith.subi %parallel_loop3A_620, %parallel_loop3A_623 : i32
        %parallel_loop3A_625 = arith.constant 0 : i32
        %parallel_loop3A_626 = arith.cmpi sgt, %parallel_loop3A_616, %parallel_loop3A_625 : i32
        %parallel_loop3A_627 = arith.extui %parallel_loop3A_626 : i1 to i32
        %parallel_loop3A_628 = arith.constant 0 : i32
        %parallel_loop3A_629 = arith.cmpi slt, %parallel_loop3A_616, %parallel_loop3A_628 : i32
        %parallel_loop3A_630 = arith.extui %parallel_loop3A_629 : i1 to i32
        %parallel_loop3A_631 = arith.subi %parallel_loop3A_627, %parallel_loop3A_630 : i32
        %parallel_loop3A_632 = arith.cmpi ne, %parallel_loop3A_624, %parallel_loop3A_631 : i32
        %parallel_loop3A_633 = arith.remsi %parallel_loop3A_615, %parallel_loop3A_616 : i32
        %parallel_loop3A_634 = arith.constant 0 : i32
        %parallel_loop3A_635 = arith.cmpi ne, %parallel_loop3A_633, %parallel_loop3A_634 : i32
        %parallel_loop3A_636 = arith.andi %parallel_loop3A_632, %parallel_loop3A_635 : i1
        %parallel_loop3A_637 = arith.constant 1 : i32
        %parallel_loop3A_638 = arith.subi %parallel_loop3A_617, %parallel_loop3A_637 : i32
        %parallel_loop3A_639 = arith.select %parallel_loop3A_636, %parallel_loop3A_638, %parallel_loop3A_617 : i32
        %parallel_loop3A_640 = arith.constant 8 : i32
        %parallel_loop3A_641 = arith.muli %parallel_loop3A_639, %parallel_loop3A_640 : i32
        %parallel_loop3A_642 = arith.subi %parallel_loop3A_615, %parallel_loop3A_641 : i32
        %parallel_loop3A_643 = arith.constant 16 : i32
        %parallel_loop3A_644 = arith.muli %parallel_loop3A_639, %parallel_loop3A_643 : i32
        %parallel_loop3A_645 = vector.broadcast %parallel_loop3A_644 : i32 to vector<16xi32>
        %parallel_loop3A_646 = arith.addi %parallel_loop3A_645, %iota3A : vector<16xi32>
        %parallel_loop3A_647 = arith.constant 16 : i32
        %parallel_loop3A_648 = arith.muli %parallel_loop3A_642, %parallel_loop3A_647 : i32
        %parallel_loop3A_649 = vector.broadcast %parallel_loop3A_648 : i32 to vector<16xi32>
        %parallel_loop3A_650 = arith.addi %parallel_loop3A_649, %select_n3A_18 : vector<16xi32>
        %parallel_loop3A_651 = tpu.vector_load_idx %arg7[%parallel_loop3A_650, %parallel_loop3A_646] : memref<128x256xf32, #tpu.memory_space<vmem>>[vector<16xi32>, vector<16xi32>], vector<16xf32>,
        tpu.vector_store_idx %arg9[%parallel_loop3A_646, %parallel_loop3A_650], %parallel_loop3A_651 : memref<208x128xf32, #tpu.memory_space<vmem>>[vector<16xi32>, vector<16xi32>], vector<16xf32>,
        %parallel_loop3A_652 = arith.constant 16 : i32
        %parallel_loop3A_653 = arith.muli %parallel_loop3A_642, %parallel_loop3A_652 : i32
        %parallel_loop3A_654 = vector.broadcast %parallel_loop3A_653 : i32 to vector<16xi32>
        %parallel_loop3A_655 = arith.addi %parallel_loop3A_654, %select_n3A_43 : vector<16xi32>
        %parallel_loop3A_656 = tpu.vector_load_idx %arg7[%parallel_loop3A_655, %parallel_loop3A_646] : memref<128x256xf32, #tpu.memory_space<vmem>>[vector<16xi32>, vector<16xi32>], vector<16xf32>,
        tpu.vector_store_idx %arg9[%parallel_loop3A_646, %parallel_loop3A_655], %parallel_loop3A_656 : memref<208x128xf32, #tpu.memory_space<vmem>>[vector<16xi32>, vector<16xi32>], vector<16xf32>,
        %parallel_loop3A_657 = arith.constant 16 : i32
        %parallel_loop3A_658 = arith.muli %parallel_loop3A_642, %parallel_loop3A_657 : i32
        %parallel_loop3A_659 = vector.broadcast %parallel_loop3A_658 : i32 to vector<16xi32>
        %parallel_loop3A_660 = arith.addi %parallel_loop3A_659, %select_n3A_68 : vector<16xi32>
        %parallel_loop3A_661 = tpu.vector_load_idx %arg7[%parallel_loop3A_660, %parallel_loop3A_646] : memref<128x256xf32, #tpu.memory_space<vmem>>[vector<16xi32>, vector<16xi32>], vector<16xf32>,
        tpu.vector_store_idx %arg9[%parallel_loop3A_646, %parallel_loop3A_660], %parallel_loop3A_661 : memref<208x128xf32, #tpu.memory_space<vmem>>[vector<16xi32>, vector<16xi32>], vector<16xf32>,
        %parallel_loop3A_662 = arith.constant 16 : i32
        %parallel_loop3A_663 = arith.muli %parallel_loop3A_642, %parallel_loop3A_662 : i32
        %parallel_loop3A_664 = vector.broadcast %parallel_loop3A_663 : i32 to vector<16xi32>
        %parallel_loop3A_665 = arith.addi %parallel_loop3A_664, %select_n3A_93 : vector<16xi32>
        %parallel_loop3A_666 = tpu.vector_load_idx %arg7[%parallel_loop3A_665, %parallel_loop3A_646] : memref<128x256xf32, #tpu.memory_space<vmem>>[vector<16xi32>, vector<16xi32>], vector<16xf32>,
        tpu.vector_store_idx %arg9[%parallel_loop3A_646, %parallel_loop3A_665], %parallel_loop3A_666 : memref<208x128xf32, #tpu.memory_space<vmem>>[vector<16xi32>, vector<16xi32>], vector<16xf32>,
        %parallel_loop3A_667 = arith.constant 16 : i32
        %parallel_loop3A_668 = arith.muli %parallel_loop3A_642, %parallel_loop3A_667 : i32
        %parallel_loop3A_669 = vector.broadcast %parallel_loop3A_668 : i32 to vector<16xi32>
        %parallel_loop3A_670 = arith.addi %parallel_loop3A_669, %select_n3A_118 : vector<16xi32>
        %parallel_loop3A_671 = tpu.vector_load_idx %arg7[%parallel_loop3A_670, %parallel_loop3A_646] : memref<128x256xf32, #tpu.memory_space<vmem>>[vector<16xi32>, vector<16xi32>], vector<16xf32>,
        tpu.vector_store_idx %arg9[%parallel_loop3A_646, %parallel_loop3A_670], %parallel_loop3A_671 : memref<208x128xf32, #tpu.memory_space<vmem>>[vector<16xi32>, vector<16xi32>], vector<16xf32>,
        %parallel_loop3A_672 = arith.constant 16 : i32
        %parallel_loop3A_673 = arith.muli %parallel_loop3A_642, %parallel_loop3A_672 : i32
        %parallel_loop3A_674 = vector.broadcast %parallel_loop3A_673 : i32 to vector<16xi32>
        %parallel_loop3A_675 = arith.addi %parallel_loop3A_674, %select_n3A_143 : vector<16xi32>
        %parallel_loop3A_676 = tpu.vector_load_idx %arg7[%parallel_loop3A_675, %parallel_loop3A_646] : memref<128x256xf32, #tpu.memory_space<vmem>>[vector<16xi32>, vector<16xi32>], vector<16xf32>,
        tpu.vector_store_idx %arg9[%parallel_loop3A_646, %parallel_loop3A_675], %parallel_loop3A_676 : memref<208x128xf32, #tpu.memory_space<vmem>>[vector<16xi32>, vector<16xi32>], vector<16xf32>,
        %parallel_loop3A_677 = arith.constant 16 : i32
        %parallel_loop3A_678 = arith.muli %parallel_loop3A_642, %parallel_loop3A_677 : i32
        %parallel_loop3A_679 = vector.broadcast %parallel_loop3A_678 : i32 to vector<16xi32>
        %parallel_loop3A_680 = arith.addi %parallel_loop3A_679, %select_n3A_168 : vector<16xi32>
        %parallel_loop3A_681 = tpu.vector_load_idx %arg7[%parallel_loop3A_680, %parallel_loop3A_646] : memref<128x256xf32, #tpu.memory_space<vmem>>[vector<16xi32>, vector<16xi32>], vector<16xf32>,
        tpu.vector_store_idx %arg9[%parallel_loop3A_646, %parallel_loop3A_680], %parallel_loop3A_681 : memref<208x128xf32, #tpu.memory_space<vmem>>[vector<16xi32>, vector<16xi32>], vector<16xf32>,
        %parallel_loop3A_682 = arith.constant 16 : i32
        %parallel_loop3A_683 = arith.muli %parallel_loop3A_642, %parallel_loop3A_682 : i32
        %parallel_loop3A_684 = vector.broadcast %parallel_loop3A_683 : i32 to vector<16xi32>
        %parallel_loop3A_685 = arith.addi %parallel_loop3A_684, %select_n3A_193 : vector<16xi32>
        %parallel_loop3A_686 = tpu.vector_load_idx %arg7[%parallel_loop3A_685, %parallel_loop3A_646] : memref<128x256xf32, #tpu.memory_space<vmem>>[vector<16xi32>, vector<16xi32>], vector<16xf32>,
        tpu.vector_store_idx %arg9[%parallel_loop3A_646, %parallel_loop3A_685], %parallel_loop3A_686 : memref<208x128xf32, #tpu.memory_space<vmem>>[vector<16xi32>, vector<16xi32>], vector<16xf32>,
        %parallel_loop3A_687 = arith.constant 16 : i32
        %parallel_loop3A_688 = arith.muli %parallel_loop3A_642, %parallel_loop3A_687 : i32
        %parallel_loop3A_689 = vector.broadcast %parallel_loop3A_688 : i32 to vector<16xi32>
        %parallel_loop3A_690 = arith.addi %parallel_loop3A_689, %select_n3A_218 : vector<16xi32>
        %parallel_loop3A_691 = tpu.vector_load_idx %arg7[%parallel_loop3A_690, %parallel_loop3A_646] : memref<128x256xf32, #tpu.memory_space<vmem>>[vector<16xi32>, vector<16xi32>], vector<16xf32>,
        tpu.vector_store_idx %arg9[%parallel_loop3A_646, %parallel_loop3A_690], %parallel_loop3A_691 : memref<208x128xf32, #tpu.memory_space<vmem>>[vector<16xi32>, vector<16xi32>], vector<16xf32>,
        %parallel_loop3A_692 = arith.constant 16 : i32
        %parallel_loop3A_693 = arith.muli %parallel_loop3A_642, %parallel_loop3A_692 : i32
        %parallel_loop3A_694 = vector.broadcast %parallel_loop3A_693 : i32 to vector<16xi32>
        %parallel_loop3A_695 = arith.addi %parallel_loop3A_694, %select_n3A_243 : vector<16xi32>
        %parallel_loop3A_696 = tpu.vector_load_idx %arg7[%parallel_loop3A_695, %parallel_loop3A_646] : memref<128x256xf32, #tpu.memory_space<vmem>>[vector<16xi32>, vector<16xi32>], vector<16xf32>,
        tpu.vector_store_idx %arg9[%parallel_loop3A_646, %parallel_loop3A_695], %parallel_loop3A_696 : memref<208x128xf32, #tpu.memory_space<vmem>>[vector<16xi32>, vector<16xi32>], vector<16xf32>,
        %parallel_loop3A_697 = arith.constant 16 : i32
        %parallel_loop3A_698 = arith.muli %parallel_loop3A_642, %parallel_loop3A_697 : i32
        %parallel_loop3A_699 = vector.broadcast %parallel_loop3A_698 : i32 to vector<16xi32>
        %parallel_loop3A_700 = arith.addi %parallel_loop3A_699, %select_n3A_268 : vector<16xi32>
        %parallel_loop3A_701 = tpu.vector_load_idx %arg7[%parallel_loop3A_700, %parallel_loop3A_646] : memref<128x256xf32, #tpu.memory_space<vmem>>[vector<16xi32>, vector<16xi32>], vector<16xf32>,
        tpu.vector_store_idx %arg9[%parallel_loop3A_646, %parallel_loop3A_700], %parallel_loop3A_701 : memref<208x128xf32, #tpu.memory_space<vmem>>[vector<16xi32>, vector<16xi32>], vector<16xf32>,
        %parallel_loop3A_702 = arith.constant 16 : i32
        %parallel_loop3A_703 = arith.muli %parallel_loop3A_642, %parallel_loop3A_702 : i32
        %parallel_loop3A_704 = vector.broadcast %parallel_loop3A_703 : i32 to vector<16xi32>
        %parallel_loop3A_705 = arith.addi %parallel_loop3A_704, %select_n3A_293 : vector<16xi32>
        %parallel_loop3A_706 = tpu.vector_load_idx %arg7[%parallel_loop3A_705, %parallel_loop3A_646] : memref<128x256xf32, #tpu.memory_space<vmem>>[vector<16xi32>, vector<16xi32>], vector<16xf32>,
        tpu.vector_store_idx %arg9[%parallel_loop3A_646, %parallel_loop3A_705], %parallel_loop3A_706 : memref<208x128xf32, #tpu.memory_space<vmem>>[vector<16xi32>, vector<16xi32>], vector<16xf32>,
        %parallel_loop3A_707 = arith.constant 16 : i32
        %parallel_loop3A_708 = arith.muli %parallel_loop3A_642, %parallel_loop3A_707 : i32
        %parallel_loop3A_709 = vector.broadcast %parallel_loop3A_708 : i32 to vector<16xi32>
        %parallel_loop3A_710 = arith.addi %parallel_loop3A_709, %select_n3A_318 : vector<16xi32>
        %parallel_loop3A_711 = tpu.vector_load_idx %arg7[%parallel_loop3A_710, %parallel_loop3A_646] : memref<128x256xf32, #tpu.memory_space<vmem>>[vector<16xi32>, vector<16xi32>], vector<16xf32>,
        tpu.vector_store_idx %arg9[%parallel_loop3A_646, %parallel_loop3A_710], %parallel_loop3A_711 : memref<208x128xf32, #tpu.memory_space<vmem>>[vector<16xi32>, vector<16xi32>], vector<16xf32>,
        %parallel_loop3A_712 = arith.constant 16 : i32
        %parallel_loop3A_713 = arith.muli %parallel_loop3A_642, %parallel_loop3A_712 : i32
        %parallel_loop3A_714 = vector.broadcast %parallel_loop3A_713 : i32 to vector<16xi32>
        %parallel_loop3A_715 = arith.addi %parallel_loop3A_714, %select_n3A_343 : vector<16xi32>
        %parallel_loop3A_716 = tpu.vector_load_idx %arg7[%parallel_loop3A_715, %parallel_loop3A_646] : memref<128x256xf32, #tpu.memory_space<vmem>>[vector<16xi32>, vector<16xi32>], vector<16xf32>,
        tpu.vector_store_idx %arg9[%parallel_loop3A_646, %parallel_loop3A_715], %parallel_loop3A_716 : memref<208x128xf32, #tpu.memory_space<vmem>>[vector<16xi32>, vector<16xi32>], vector<16xf32>,
        %parallel_loop3A_717 = arith.constant 16 : i32
        %parallel_loop3A_718 = arith.muli %parallel_loop3A_642, %parallel_loop3A_717 : i32
        %parallel_loop3A_719 = vector.broadcast %parallel_loop3A_718 : i32 to vector<16xi32>
        %parallel_loop3A_720 = arith.addi %parallel_loop3A_719, %select_n3A_368 : vector<16xi32>
        %parallel_loop3A_721 = tpu.vector_load_idx %arg7[%parallel_loop3A_720, %parallel_loop3A_646] : memref<128x256xf32, #tpu.memory_space<vmem>>[vector<16xi32>, vector<16xi32>], vector<16xf32>,
        tpu.vector_store_idx %arg9[%parallel_loop3A_646, %parallel_loop3A_720], %parallel_loop3A_721 : memref<208x128xf32, #tpu.memory_space<vmem>>[vector<16xi32>, vector<16xi32>], vector<16xf32>,
        %parallel_loop3A_722 = arith.constant 16 : i32
        %parallel_loop3A_723 = arith.muli %parallel_loop3A_642, %parallel_loop3A_722 : i32
        %parallel_loop3A_724 = vector.broadcast %parallel_loop3A_723 : i32 to vector<16xi32>
        %parallel_loop3A_725 = arith.addi %parallel_loop3A_724, %select_n3A_393 : vector<16xi32>
        %parallel_loop3A_726 = tpu.vector_load_idx %arg7[%parallel_loop3A_725, %parallel_loop3A_646] : memref<128x256xf32, #tpu.memory_space<vmem>>[vector<16xi32>, vector<16xi32>], vector<16xf32>,
        tpu.vector_store_idx %arg9[%parallel_loop3A_646, %parallel_loop3A_725], %parallel_loop3A_726 : memref<208x128xf32, #tpu.memory_space<vmem>>[vector<16xi32>, vector<16xi32>], vector<16xf32>,
      } {sc.loop_unroll_factor = 1 : i64, sc.parallel_access}
      %add3A_571 = arith.constant 1 : i32
      %add3A_572 = arith.addi %mul3A_489, %add3A_571 : i32
      %mul3A_573 = arith.constant 50 : i32
      %mul3A_574 = arith.muli %add3A, %mul3A_573 : i32
      %add3A_575 = arith.addi %mul3A_574, %add3A_572 : i32
      %jit3A_576 = arith.constant 8 : i32
      %div3A_577 = arith.divsi %add3A_575, %jit3A_576 : i32
      %sign3A_578 = arith.constant 0 : i32
      %sign3A_579 = arith.cmpi sgt, %add3A_575, %sign3A_578 : i32
      %sign3A_580 = arith.extui %sign3A_579 : i1 to i32
      %sign3A_581 = arith.constant 0 : i32
      %sign3A_582 = arith.cmpi slt, %add3A_575, %sign3A_581 : i32
      %sign3A_583 = arith.extui %sign3A_582 : i1 to i32
      %sign3A_584 = arith.subi %sign3A_580, %sign3A_583 : i32
      %sign3A_585 = arith.constant 0 : i32
      %sign3A_586 = arith.cmpi sgt, %jit3A_576, %sign3A_585 : i32
      %sign3A_587 = arith.extui %sign3A_586 : i1 to i32
      %sign3A_588 = arith.constant 0 : i32
      %sign3A_589 = arith.cmpi slt, %jit3A_576, %sign3A_588 : i32
      %sign3A_590 = arith.extui %sign3A_589 : i1 to i32
      %sign3A_591 = arith.subi %sign3A_587, %sign3A_590 : i32
      %ne3A_592 = arith.cmpi ne, %sign3A_584, %sign3A_591 : i32
      %rem3A_593 = arith.remsi %add3A_575, %jit3A_576 : i32
      %ne3A_594 = arith.constant 0 : i32
      %ne3A_595 = arith.cmpi ne, %rem3A_593, %ne3A_594 : i32
      %and3A_596 = arith.andi %ne3A_592, %ne3A_595 : i1
      %sub3A_597 = arith.constant 1 : i32
      %sub3A_598 = arith.subi %div3A_577, %sub3A_597 : i32
      %select_n3A_599 = arith.select %and3A_596, %sub3A_598, %div3A_577 : i32
      %mul3A_600 = arith.constant 8 : i32
      %mul3A_601 = arith.muli %select_n3A_599, %mul3A_600 : i32
      %sub3A_602 = arith.subi %add3A_575, %mul3A_601 : i32
      %mul3A_603 = arith.constant 200 : i32
      %mul3A_604 = arith.muli %select_n3A_599, %mul3A_603 : i32
      %mul3A_605 = arith.constant 128 : i32
      %mul3A_606 = arith.muli %sub3A_602, %mul3A_605 : i32
      %dma_start3A_607 = arith.constant 0 : i32
      %dma_start3A_608 = arith.constant 0 : i32
      %dma_start3A_609 = tpu.memref_slice %arg9[%dma_start3A_607, %dma_start3A_608] : memref<208x128xf32, #tpu.memory_space<vmem>> -> memref<200x128xf32, #tpu.memory_space<vmem>>
      %dma_start3A_610 = tpu.memref_slice %arg4[%mul3A_604, %mul3A_606] : memref<40000x1024xf32, #tpu.memory_space<hbm>> -> memref<200x128xf32, #tpu.memory_space<hbm>>
      %dma_start3A_611 = tpu.memref_slice %arg4[%mul3A_604, %mul3A_606] : memref<40000x1024xf32, #tpu.memory_space<hbm>> -> memref<200x128xf32, #tpu.memory_space<hbm>>
      %dma_start3A_612 = arith.constant 0 : i32
      %dma_start3A_613 = arith.constant 0 : i32
      %dma_start3A_614 = tpu.memref_slice %arg9[%dma_start3A_612, %dma_start3A_613] : memref<208x128xf32, #tpu.memory_space<vmem>> -> memref<200x128xf32, #tpu.memory_space<vmem>>
      tpu.enqueue_dma source(%dma_start3A_614 : memref<200x128xf32, #tpu.memory_space<vmem>>) target(%dma_start3A_611 : memref<200x128xf32, #tpu.memory_space<hbm>>) target_semaphore(%arg13 : memref<!tpu.dma_semaphore, #tpu.memory_space<semaphore_mem>>)
    }
    %scan3A_404 = arith.constant 25 : i32
    %mul3A_405 = arith.constant 50 : i32
    %mul3A_406 = arith.muli %add3A, %mul3A_405 : i32
    %add3A_407 = arith.constant 48 : i32
    %add3A_408 = arith.addi %mul3A_406, %add3A_407 : i32
    %jit3A_409 = arith.constant 8 : i32
    %div3A = arith.divsi %add3A_408, %jit3A_409 : i32
    %sign3A = arith.constant 0 : i32
    %sign3A_410 = arith.cmpi sgt, %add3A_408, %sign3A : i32
    %sign3A_411 = arith.extui %sign3A_410 : i1 to i32
    %sign3A_412 = arith.constant 0 : i32
    %sign3A_413 = arith.cmpi slt, %add3A_408, %sign3A_412 : i32
    %sign3A_414 = arith.extui %sign3A_413 : i1 to i32
    %sign3A_415 = arith.subi %sign3A_411, %sign3A_414 : i32
    %sign3A_416 = arith.constant 0 : i32
    %sign3A_417 = arith.cmpi sgt, %jit3A_409, %sign3A_416 : i32
    %sign3A_418 = arith.extui %sign3A_417 : i1 to i32
    %sign3A_419 = arith.constant 0 : i32
    %sign3A_420 = arith.cmpi slt, %jit3A_409, %sign3A_419 : i32
    %sign3A_421 = arith.extui %sign3A_420 : i1 to i32
    %sign3A_422 = arith.subi %sign3A_418, %sign3A_421 : i32
    %ne3A_423 = arith.cmpi ne, %sign3A_415, %sign3A_422 : i32
    %rem3A_424 = arith.remsi %add3A_408, %jit3A_409 : i32
    %ne3A_425 = arith.constant 0 : i32
    %ne3A_426 = arith.cmpi ne, %rem3A_424, %ne3A_425 : i32
    %and3A_427 = arith.andi %ne3A_423, %ne3A_426 : i1
    %sub3A = arith.constant 1 : i32
    %sub3A_428 = arith.subi %div3A, %sub3A : i32
    %select_n3A_429 = arith.select %and3A_427, %sub3A_428, %div3A : i32
    %mul3A_430 = arith.constant 8 : i32
    %mul3A_431 = arith.muli %select_n3A_429, %mul3A_430 : i32
    %sub3A_432 = arith.subi %add3A_408, %mul3A_431 : i32
    %mul3A_433 = arith.constant 200 : i32
    %mul3A_434 = arith.muli %select_n3A_429, %mul3A_433 : i32
    %mul3A_435 = arith.constant 128 : i32
    %mul3A_436 = arith.muli %sub3A_432, %mul3A_435 : i32
    %dma_wait3A = arith.constant 0 : i32
    %dma_wait3A_437 = arith.constant 0 : i32
    %dma_wait3A_438 = tpu.memref_slice %arg8[%dma_wait3A, %dma_wait3A_437] : memref<208x128xf32, #tpu.memory_space<vmem>> -> memref<200x128xf32, #tpu.memory_space<vmem>>
    %dma_wait3A_439 = tpu.memref_slice %arg4[%mul3A_434, %mul3A_436] : memref<40000x1024xf32, #tpu.memory_space<hbm>> -> memref<200x128xf32, #tpu.memory_space<hbm>>
    %dma_wait3A_440 = tpu.memref_slice %arg4[%mul3A_434, %mul3A_436] : memref<40000x1024xf32, #tpu.memory_space<hbm>> -> memref<200x128xf32, #tpu.memory_space<hbm>>
    %dma_wait3A_441 = arith.constant 0 : i32
    %dma_wait3A_442 = arith.constant 0 : i32
    %dma_wait3A_443 = tpu.memref_slice %arg8[%dma_wait3A_441, %dma_wait3A_442] : memref<208x128xf32, #tpu.memory_space<vmem>> -> memref<200x128xf32, #tpu.memory_space<vmem>>
    tpu.wait_dma2 semaphore(%arg12 : memref<!tpu.dma_semaphore, #tpu.memory_space<semaphore_mem>>) src(%dma_wait3A_443 : memref<200x128xf32, #tpu.memory_space<vmem>>) dst(%dma_wait3A_440 : memref<200x128xf32, #tpu.memory_space<hbm>>)
    %mul3A_444 = arith.constant 50 : i32
    %mul3A_445 = arith.muli %add3A, %mul3A_444 : i32
    %add3A_446 = arith.constant 49 : i32
    %add3A_447 = arith.addi %mul3A_445, %add3A_446 : i32
    %jit3A_448 = arith.constant 8 : i32
    %div3A_449 = arith.divsi %add3A_447, %jit3A_448 : i32
    %sign3A_450 = arith.constant 0 : i32
    %sign3A_451 = arith.cmpi sgt, %add3A_447, %sign3A_450 : i32
    %sign3A_452 = arith.extui %sign3A_451 : i1 to i32
    %sign3A_453 = arith.constant 0 : i32
    %sign3A_454 = arith.cmpi slt, %add3A_447, %sign3A_453 : i32
    %sign3A_455 = arith.extui %sign3A_454 : i1 to i32
    %sign3A_456 = arith.subi %sign3A_452, %sign3A_455 : i32
    %sign3A_457 = arith.constant 0 : i32
    %sign3A_458 = arith.cmpi sgt, %jit3A_448, %sign3A_457 : i32
    %sign3A_459 = arith.extui %sign3A_458 : i1 to i32
    %sign3A_460 = arith.constant 0 : i32
    %sign3A_461 = arith.cmpi slt, %jit3A_448, %sign3A_460 : i32
    %sign3A_462 = arith.extui %sign3A_461 : i1 to i32
    %sign3A_463 = arith.subi %sign3A_459, %sign3A_462 : i32
    %ne3A_464 = arith.cmpi ne, %sign3A_456, %sign3A_463 : i32
    %rem3A_465 = arith.remsi %add3A_447, %jit3A_448 : i32
    %ne3A_466 = arith.constant 0 : i32
    %ne3A_467 = arith.cmpi ne, %rem3A_465, %ne3A_466 : i32
    %and3A_468 = arith.andi %ne3A_464, %ne3A_467 : i1
    %sub3A_469 = arith.constant 1 : i32
    %sub3A_470 = arith.subi %div3A_449, %sub3A_469 : i32
    %select_n3A_471 = arith.select %and3A_468, %sub3A_470, %div3A_449 : i32
    %mul3A_472 = arith.constant 8 : i32
    %mul3A_473 = arith.muli %select_n3A_471, %mul3A_472 : i32
    %sub3A_474 = arith.subi %add3A_447, %mul3A_473 : i32
    %mul3A_475 = arith.constant 200 : i32
    %mul3A_476 = arith.muli %select_n3A_471, %mul3A_475 : i32
    %mul3A_477 = arith.constant 128 : i32
    %mul3A_478 = arith.muli %sub3A_474, %mul3A_477 : i32
    %dma_wait3A_479 = arith.constant 0 : i32
    %dma_wait3A_480 = arith.constant 0 : i32
    %dma_wait3A_481 = tpu.memref_slice %arg9[%dma_wait3A_479, %dma_wait3A_480] : memref<208x128xf32, #tpu.memory_space<vmem>> -> memref<200x128xf32, #tpu.memory_space<vmem>>
    %dma_wait3A_482 = tpu.memref_slice %arg4[%mul3A_476, %mul3A_478] : memref<40000x1024xf32, #tpu.memory_space<hbm>> -> memref<200x128xf32, #tpu.memory_space<hbm>>
    %dma_wait3A_483 = tpu.memref_slice %arg4[%mul3A_476, %mul3A_478] : memref<40000x1024xf32, #tpu.memory_space<hbm>> -> memref<200x128xf32, #tpu.memory_space<hbm>>
    %dma_wait3A_484 = arith.constant 0 : i32
    %dma_wait3A_485 = arith.constant 0 : i32
    %dma_wait3A_486 = tpu.memref_slice %arg9[%dma_wait3A_484, %dma_wait3A_485] : memref<208x128xf32, #tpu.memory_space<vmem>> -> memref<200x128xf32, #tpu.memory_space<vmem>>
    tpu.wait_dma2 semaphore(%arg13 : memref<!tpu.dma_semaphore, #tpu.memory_space<semaphore_mem>>) src(%dma_wait3A_486 : memref<200x128xf32, #tpu.memory_space<vmem>>) dst(%dma_wait3A_483 : memref<200x128xf32, #tpu.memory_space<hbm>>)
    return
  }
}

</mosaic_0001>

<sc_bundles>
// kernel: kernel.3.cloned.1.call-start
scs
__scs_entry_jumppad:
0x0: {  	(pc) =	sbr.rel $0x88, $3  }
0x1: {  	(tag) =	ssettag $0x0;
	lr =	simm.s32 $0x1  }
0x2: {  	[smem:$0x3F9F] =	sst lr;
	_ =	strace $0xD0000000  }
0x3: {  	_ = 	snop  }
0x4: {  	_ = 	snop  }
0x5: {  	_ = 	snop  }
0x6: {  	_ = 	snop  }
0x7: {  	_ = 	snop  }
__scs_overlays_trampoline_lowered:
0x8: {  	[smem:$0x3FAE] =	sst s0  }
0x9: {  	[smem:$0x3FAF] =	sst s1  }
0xa: {  	[smem:$0x3FB0] =	sst s2  }
0xb: {  	[smem:$0x3FB1] =	sst s3  }
0xc: {  	[smem:$0x3FB2] =	sst s4  }
0xd: {  	[smem:$0x3FB3] =	sst s5  }
0xe: {  	[smem:$0x3FB4] =	sst s6  }
0xf: {  	[smem:$0x3FB5] =	sst s7  }
0x10: {  	[smem:$0x3FB6] =	sst s8  }
0x11: {  	[smem:$0x3FB7] =	sst s9;
	s0 =	simm.s32 @!p0 $0x0  }
0x12: {  	s1 =	sld [smem:$0x3F9D];
	s0 =	simm.s32 @p0 $0x1  }
0x13: {  	[smem:$0x3FB8] =	sst s0;
	s0 =	simm.s32 @!p1 $0x0  }
0x14: {  	s2 =	sld [smem:$0x3F9C];
	s0 =	simm.s32 @p1 $0x1  }
0x15: {  	[smem:$0x3FB9] =	sst s0;
	s0 =	simm.s32 @!p2 $0x0  }
0x16: {  	s3 =	sld [smem:$0x3FDB];
	s0 =	simm.s32 @p2 $0x1  }
0x17: {  	s4 =	simm.s32 $0x1BF5;
	[smem:$0x3FBB] =	sst s0  }
0x18: {  	s0 =	sld [smem:$0x3F9E];
	_ =	swait.ge [sflag:s4], $0x0  }
0x19: {  	s7 =	sld [smem:$0x3F9F]  }
0x1a: {  	s8 =	sadd.s32 $0xFFFFE003, lr  }
0x1b: {  	s9 =	sadd.s32 $0xFFFFFEF7, lr;
	s5 =	simm.s32 $0xFFFFFFFF;
	p2 =	slt.u32 s8, $0xFFFFF086  }
0x1c: {  	p1 =	slt.u32 s9, $0xF7A;
	s5 =	simm.s32 @!p2 $0x0  }
0x1d: {  	s5 =	simm.s32 @p1 $0x1;
	p0 =	seq.s32 s7, s2  }
0x1e: {  	s7 =	smul.u32 @!p0 $0xF7A, s2;
	p2 =	seq.s32 @!p0 s5, $0x0  }
0x1f: {  	s9 =	smul.u32 $0xF7A, s1;
	s8 =	simm.s32 @!p0 $0x1BF5;
	p2 =	por !p2, p0  }
0x20: {  	[sflag:s8] =	ssyncset.s32 @!p0 $0xFFFFF086;
	s6 =	sadd.s32 @!p0 s3, s7;
	s7 =	simm.s32 @!p0 $0x108  }
0x21: {  	s3 =	sadd.s32 s3, s9;
	s6 =	sadd.s32 @!p0 $0x88, s6;
	s7 =	simm.s32 @p2 $0x1082  }
0x22: {  	[simem:s7], [sflag:s8] =	dma.local @!p0 [hbm:s6], $0xF7A  }
0x23: {  	s9 =	sor.u32 $0xD0000000, s2;
	s6 =	simm.s32 $0x108;
	_ =	swait.ge @!p0 [sflag:s8], $0x0  }
0x24: {  	s3 =	sadd.s32 $0x88, s3;
	s6 =	simm.s32 @!p1 $0x1082;
	[sflag:s4] =	ssyncset.s32 $0xFFFFF086  }
0x25: {  	[simem:s6], [sflag:s4] =	dma.local [hbm:s3], $0xF7A  }
0x26: {  	[smem:$0x3F9F] =	sst s1;
	(tag) =	ssettag s2;
	_ =	strace s9  }
0x27: {  	s1 =	sld [smem:$0x3FAF]  }
0x28: {  	s2 =	sld [smem:$0x3FB0]  }
0x29: {  	s4 =	sld [smem:$0x3FB2]  }
0x2a: {  	p0 =	seq.s32 s5, $0x0;
	s5 =	sld [smem:$0x3FB3]  }
0x2b: {  	s6 =	sld [smem:$0x3FB4]  }
0x2c: {  	s7 =	sld [smem:$0x3FB5]  }
0x2d: {  	s3 =	simm.s32 $0x108;
	s8 =	sld [smem:$0x3FB6]  }
0x2e: {  	s3 =	simm.s32 @!p0 $0x1082;
	s9 =	sld [smem:$0x3FB7]  }
0x2f: {  	lr =	sadd.s32 s0, s3;
	s0 =	sld [smem:$0x3FAE]  }
0x30: {  	s3 =	sld [smem:$0x3FB1]  }
0x31: {  	[smem:$0x3FBA] =	sst s10  }
0x32: {  	s10 =	sld [smem:$0x3FB8];
	_ =	sdelay $0x3  }
0x33: {  	p0 =	seq.s32 s10, $0x1;
	s10 =	sld [smem:$0x3FBA];
	_ =	sdelay $0x3  }
0x34: {  	[smem:$0x3FBA] =	sst s10  }
0x35: {  	s10 =	sld [smem:$0x3FB9];
	_ =	sdelay $0x3  }
0x36: {  	p1 =	seq.s32 s10, $0x1;
	s10 =	sld [smem:$0x3FBA];
	_ =	sdelay $0x3  }
0x37: {  	[smem:$0x3FBA] =	sst s10  }
0x38: {  	s10 =	sld [smem:$0x3FBB]  }
0x39: {  	_ = 	snop;
	(pc) =	sbr.ind lr, $3  }
0x3a: {  	_ = 	snop  }
0x3b: {  	_ = 	snop  }
0x3c: {  	p2 =	seq.s32 s10, $0x1;
	s10 =	sld [smem:$0x3FBA]  }
0x3d: {  	_ =	shalt  }
0x3e: {  	_ =	shalt  }
0x3f: {  	_ =	shalt  }
0x40: {  	_ =	shalt  }
0x41: {  	_ =	shalt  }
0x42: {  	_ =	shalt  }
0x43: {  	_ =	shalt  }
0x44: {  	_ =	shalt  }
0x45: {  	_ =	shalt  }
0x46: {  	_ =	shalt  }
0x47: {  	_ =	shalt  }
0x48: {  	_ =	shalt  }
0x49: {  	_ =	shalt  }
0x4a: {  	_ =	shalt  }
0x4b: {  	_ =	shalt  }
0x4c: {  	_ =	shalt  }
0x4d: {  	_ =	shalt  }
0x4e: {  	_ =	shalt  }
0x4f: {  	_ =	shalt  }
0x50: {  	_ =	shalt  }
0x51: {  	_ =	shalt  }
0x52: {  	_ =	shalt  }
0x53: {  	_ =	shalt  }
0x54: {  	_ =	shalt  }
0x55: {  	_ =	shalt  }
0x56: {  	_ =	shalt  }
0x57: {  	_ =	shalt  }
0x58: {  	_ =	shalt  }
0x59: {  	_ =	shalt  }
0x5a: {  	_ =	shalt  }
0x5b: {  	_ =	shalt  }
0x5c: {  	_ =	shalt  }
0x5d: {  	_ =	shalt  }
0x5e: {  	_ =	shalt  }
0x5f: {  	_ =	shalt  }
0x60: {  	_ =	shalt  }
0x61: {  	_ =	shalt  }
0x62: {  	_ =	shalt  }
0x63: {  	_ =	shalt  }
0x64: {  	_ =	shalt  }
0x65: {  	_ =	shalt  }
0x66: {  	_ =	shalt  }
0x67: {  	_ =	shalt  }
0x68: {  	_ =	shalt  }
0x69: {  	_ =	shalt  }
0x6a: {  	_ =	shalt  }
0x6b: {  	_ =	shalt  }
0x6c: {  	_ =	shalt  }
0x6d: {  	_ =	shalt  }
0x6e: {  	_ =	shalt  }
0x6f: {  	_ =	shalt  }
0x70: {  	_ =	shalt  }
0x71: {  	_ =	shalt  }
0x72: {  	_ =	shalt  }
0x73: {  	_ =	shalt  }
0x74: {  	_ =	shalt  }
0x75: {  	_ =	shalt  }
0x76: {  	_ =	shalt  }
0x77: {  	_ =	shalt  }
0x78: {  	_ =	shalt  }
0x79: {  	_ =	shalt  }
0x7a: {  	_ =	shalt  }
0x7b: {  	_ =	shalt  }
0x7c: {  	_ =	shalt  }
0x7d: {  	_ =	shalt  }
0x7e: {  	_ =	shalt  }
0x7f: {  	_ =	shalt  }
0x80: {  	_ =	shalt  }
0x81: {  	_ =	shalt  }
0x82: {  	_ =	shalt  }
0x83: {  	_ =	shalt  }
0x84: {  	_ =	shalt  }
0x85: {  	_ =	shalt  }
0x86: {  	_ =	shalt  }
0x87: {  	_ =	shalt  }
.Lfunc_end0:
.L_simem_size_0:
called_computation_lowered:
.L_overlay_start_0:
0x88: {  	s2 =	sld [smem:$0x3FD9]  }
0x89: {  	s3 =	sld [smem:$0x3FFE];
	_ =	sdelay $0x1  }
0x8a: {  	s1 =	srdreg.scid  }
0x8b: {  	s0 =	sand.u32 $0x1, s1  }
0x8c: {  	s17 =	sshll.u32 s0, $0xA;
	s2 =	sadd.s32 s3, s2  }
0x8d: {  	s2 =	sadd.s32 s2, s17  }
0x8e: {  	[smem:$0x3FC6] =	sst s2  }
0x8f: {  	_ = 	snop  }
0x90: {  	s2 =	sld [smem:$0x3FD0];
	(tm) =	ssettm $0x1  }
0x91: {  	s18 =	sld [smem:$0x3FFB];
	_ =	sdelay $0x3  }
0x92: {  	_ =	strace s18  }
0x93: {  	s3 =	sld [smem:$0x3FFC];
	_ =	sdelay $0x3  }
0x94: {  	_ =	strace s3  }
0x95: {  	s3 =	sld [smem:$0x3FFD];
	_ =	sdelay $0x3  }
0x96: {  	_ =	strace s3  }
0x97: {  	_ =	strace $0x8FFFFFFF  }
0x98: {  	s19 =	sld [smem:$0x3FDB];
	_ =	sdelay $0x1  }
0x99: {  	s4 =	simm.s32 $_scs_section_size  }
0x9a: {  	s5 =	simm.s32 $_size__tile_overlayer_lowered;
	s6 =	simm.s32 $_tile_overlayer_lowered  }
0x9b: {  	s22 =	simm.s32 $0x1BFF;
	s21 =	sshll.u32 s6, $0x1;
	s3 =	sadd.s32 s4, s19  }
0x9c: {  	s7 =	simm.s32 $0x0;
	s20 =	sshll.u32 s5, $0x1;
	s5 =	sadd.s32 s21, s3  }
0x9d: {  	[timem:s7], [sflag:s22] =	dma.local [hbm:s5], s20  }
0x9e: {  	_ =	swait.ge [sflag:s22], s20  }
0x9f: {  	s4 =	ssub.s32 $0x0, s20;
	[sflag:s22] =	ssyncset.done $0x0  }
0xa0: {  	[sflag:s22] =	ssyncadd.s32 s4;
	_ =	sdelay $0x1  }
0xa1: {  	s23 =	simm.s32 $0x1B8B  }
0xa2: {  	_ =	swait.ge [sflag:s23], $0x1  }
0xa3: {  	[sflag:s23] =	ssyncset.done $0x0  }
0xa4: {  	s25 =	simm.s32 $0x1B8E;
	s24 =	sld [smem:$0x3FFE];
	[sflag:s23] =	ssyncadd.s32 $0xFFFFFFFF  }
0xa5: {  	s26 =	simm.s32 $execute0_lowered;
	[smem:$0x3FD2] =	sst s25  }
0xa6: {  	s5 =	sshll.u32 s26, $0x1;
	_ =	strace $0x80000046;
	[dreg:$0x1] =	wrdreg $0xFFFFFFFF  }
0xa7: {  	s28 =	simm.s32 $_size_execute0_lowered;
	s3 =	sadd.s32 s3, s5;
	[dreg:$0x0] =	wrdreg $0x0  }
0xa8: {  	s5 =	sshll.u32 s28, $0x1;
	[dreg:$0x2] =	wrdreg s3  }
0xa9: {  	[dreg:$0x3] =	wrdreg s5  }
0xaa: {  	[dreg:$0x4] =	wrdreg $0xC0  }
0xab: {  	_ =	task [dreg:s7], $0x5FFFF  }
0xac: {  	[dreg:$0x1] =	wrdreg $0xFFFFFFFF  }
0xad: {  	[dreg:$0x0] =	wrdreg $0x60  }
0xae: {  	[dreg:$0x2] =	wrdreg s24  }
0xaf: {  	[dreg:$0x3] =	wrdreg s2  }
0xb0: {  	[dreg:$0x4] =	wrdreg $0x9  }
0xb1: {  	_ =	task.clear_ibuf [dreg:s7], $0x5FFFF;
	_ =	strace $0x90000046  }
0xb2: {  	s29 =	simm.s32 $0x9;
	_ =	strace $0x80000048  }
0xb3: {  	_ =	swait.ge [sflag:s29], $0x1  }
0xb4: {  	[sflag:s29] =	ssyncadd.s32 $0xFFFFFFFF  }
0xb5: {  	_ =	strace $0x90000048  }
0xb6: {  	_ =	sfence  }
0xb7: {  	s30 =	sld [smem:$0x0];
	_ =	sdelay $0x2  }
0xb8: {  	s31 =	sshll.u32 s1, $0xD;
	s1 =	sshrl.u32 s1, $0x2  }
0xb9: {  	s3 =	sand.u32 $0x4000, s31;
	s1 =	sadd.s32 s1, s30  }
0xba: {  	s0 =	sor.u32 s3, s0;
	s1 =	sshll.u32 s1, $0x11  }
0xbb: {  	s0 =	sor.u32 s1, s0  }
0xbc: {  	s0 =	sadd.s32 $0x8F2B, s0  }
0xbd: {  	[sflag:s0] =	ssyncadd.remote.s32 $0x1  }
0xbe: {  	_ =	sfence.sel $0xFFFF  }
0xbf: {  	[dreg:$0x0] =	wrdreg $0xFFFFFFFF;
	(pc) =	sbr.abs _section_cstart, $3  }
0xc0: {  	[dreg:$0x1] =	wrdreg $0xFFFFFFFF  }
0xc1: {  	_ =	task.clear_ibuf [dreg:s7], $0x2FFFF;
	_ =	strace $0x9FFFFFFF  }
0xc2: {  	(tm) =	ssettm $0x7FFFFFFF  }
0xc3: {  	_ =	shalt  }
tec
execute0_lowered:
.L_overlay_start_1:
0x0: {  	(tag) =	ssettag $0x1  }
0x1: {  	v0 =	vlaneseq.u32;
	vm14 =	vcmask $0x300;
	v4 =	vimm.s32 $0x0  }
0x2: {  	vm13 =	vcmask $0x704;
	v5 =	vimm.s32 $0xFEDCBA9;
	vm12 =	vcmask $0xB08  }
0x3: {  	vm11 =	vcmask $0xF0C;
	v6 =	vimm.s32 $0x87654321;
	vm10 =	vcmask $0x1310  }
0x4: {  	vm8 =	vcmask $0x1714;
	vm9 =	vcmask $0x1B18;
	vm7 =	vcmask $0x2320  }
0x5: {  	vm6 =	vcmask $0x2724;
	vm4 =	vcmask $0x2B28;
	vm3 =	vcmask $0x2F2C  }
0x6: {  	v7 =	vimm.s32 $0x80;
	vm2 =	vcmask $0x3330;
	vm1 =	vcmask $0x3734  }
0x7: {  	v9 =	vimm.s32 $0x98765432;
	v10 =	vimm.s32 $0x100;
	vm5 =	vcmask $0x3B38  }
0x8: {  	v46 =	vimm.s32 $0x210FEDCB;
	v13 =	vimm.s32 $0xA9876543;
	v14 =	vimm.s32 $0x180  }
0x9: {  	v48 =	vimm.s32 $0x200;
	v49 =	vimm.s32 $0xBA987654;
	v2 =	vshrl.u32 v0, $0x3  }
0xa: {  	v50 =	vimm.s32 $0x43210FED;
	v51 =	vimm.s32 $0xCBA98765;
	v2 =	vmul.u32 $0x8, v2  }
0xb: {  	v52 =	vimm.s32 $0x280;
	v5 =	vunpack.c.l.s4.s8 v5;
	v6 =	vunpack.c.l.s4.s8 v6  }
0xc: {  	v53 =	vimm.s32 $0x543210FE;
	v4 =	vsel vm14, $0x80, v4;
	[tilespmem:$0x1FDF0] =	vst v2;
	v2 =	vor.u32 $0x8, v0  }
0xd: {  	v4 =	vsel vm13, $0x100, v4;
	v3 =	vunpack.c.0.s8.s32 v6;
	[tilespmem:$0x1FE00] =	vst v2;
	v2 =	vunpack.c.0.s8.s32 v5  }
0xe: {  	v54 =	vimm.s32 $0xDCBA9876;
	v55 =	vimm.s32 $0x300;
	v4 =	vsel vm12, $0x180, v4  }
0xf: {  	v1 =	vand.u32 $0x7, v0;
	v4 =	vsel vm11, $0x200, v4;
	v5 =	vcombine.low v3, v2  }
0x10: {  	v8 =	vsel vm14, $0x100, v7;
	v9 =	vunpack.c.l.s4.s8 v9;
	v4 =	vsel vm10, $0x280, v4  }
0x11: {  	v4 =	vsel vm8, $0x300, v4;
	v63 =	vand.u32 $0xF, v5;
	v5 =	vsel vm13, $0x180, v8  }
0x12: {  	v10 =	vsel vm14, $0x180, v10;
	v4 =	vsel vm9, $0x380, v4;
	v5 =	vsel vm12, $0x200, v5  }
0x13: {  	v10 =	vsel vm13, $0x200, v10;
	v4 =	vsel vm7, $0x80, v4;
	v5 =	vsel vm11, $0x280, v5  }
0x14: {  	v6 =	vmul.u32 $0x80, v1;
	v4 =	vsel vm6, $0x100, v4;
	v5 =	vsel vm10, $0x300, v5  }
0x15: {  	v8 =	vimm.s32 $0x10FEDCBA;
	v4 =	vsel vm4, $0x180, v4;
	v5 =	vsel vm8, $0x380, v5  }
0x16: {  	v8 =	vunpack.c.l.s4.s8 v8;
	v4 =	vsel vm3, $0x200, v4;
	v5 =	vsel vm9, $0x0, v5  }
0x17: {  	v12 =	vsel vm12, $0x280, v10;
	v4 =	vsel vm2, $0x280, v4;
	v5 =	vsel vm7, $0x100, v5  }
0x18: {  	[tilespmem:$0x1FE10] =	vst v1;
	v1 =	vunpack.c.0.s8.s32 v8;
	v4 =	vsel vm1, $0x300, v4;
	v5 =	vsel vm6, $0x180, v5  }
0x19: {  	v8 =	vsel vm5, $0x380, v4;
	v4 =	vsel vm4, $0x200, v5;
	v5 =	vsel vm11, $0x300, v12  }
0x1a: {  	v13 =	vunpack.c.l.s4.s8 v13;
	[tilespmem:$0x1FE20] =	vst v2;
	v2 =	vunpack.c.0.s8.s32 v9;
	v5 =	vsel vm10, $0x380, v5  }
0x1b: {  	v47 =	vsel vm14, $0x200, v14;
	v12 =	vunpack.c.l.s4.s8 v46;
	v5 =	vsel vm8, $0x0, v5  }
0x1c: {  	[tilespmem:$0x1FE50] =	vst v2;
	v11 =	vcombine.low v2, v1;
	v2 =	vunpack.c.0.s8.s32 v13;
	v5 =	vsel vm9, $0x80, v5  }
0x1d: {  	[tilespmem:$0x1FE40] =	vst v1;
	v4 =	vsel vm3, $0x280, v4;
	v1 =	vunpack.c.0.s8.s32 v12;
	v5 =	vsel vm7, $0x180, v5  }
0x1e: {  	v4 =	vsel vm2, $0x300, v4;
	v12 =	vsel vm13, $0x280, v47;
	v5 =	vsel vm6, $0x200, v5  }
0x1f: {  	v4 =	vsel vm1, $0x380, v4;
	v13 =	vcombine.low v2, v1;
	v5 =	vsel vm4, $0x280, v5  }
0x20: {  	v12 =	vsel vm12, $0x300, v12;
	[tilespmem:$0x1FE60] =	vst v1;
	v1 =	vsel vm5, $0x0, v4;
	v5 =	vsel vm3, $0x300, v5  }
0x21: {  	v12 =	vsel vm11, $0x380, v12;
	[tilespmem:$0x1FE80] =	vst v1;
	v1 =	vand.u32 $0xF, v13;
	v5 =	vsel vm2, $0x380, v5  }
0x22: {  	v13 =	vunpack.c.l.s4.s8 v49;
	v4 =	vsel vm1, $0x0, v5;
	v5 =	vsel vm10, $0x0, v12  }
0x23: {  	[tilespmem:$0x1FE90] =	vst v1;
	v1 =	vsel vm5, $0x80, v4;
	v4 =	vsel vm8, $0x80, v5;
	v5 =	vimm.s32 $0x3210FEDC  }
0x24: {  	v12 =	vsel vm14, $0x280, v48;
	v4 =	vsel vm9, $0x100, v4;
	v5 =	vunpack.c.l.s4.s8 v5  }
0x25: {  	[tilespmem:$0x1FE70] =	vst v2;
	v2 =	vunpack.c.0.s8.s32 v13;
	v12 =	vsel vm13, $0x300, v12;
	v4 =	vsel vm7, $0x200, v4  }
0x26: {  	[tilespmem:$0x1FEA0] =	vst v1;
	v12 =	vsel vm12, $0x380, v12;
	v4 =	vsel vm6, $0x280, v4;
	v1 =	vunpack.c.0.s8.s32 v5  }
0x27: {  	v5 =	vsel vm11, $0x0, v12;
	v12 =	vunpack.c.l.s4.s8 v50;
	v4 =	vsel vm4, $0x300, v4  }
0x28: {  	v13 =	vunpack.c.l.s4.s8 v51;
	v5 =	vsel vm10, $0x80, v5;
	v4 =	vsel vm3, $0x380, v4  }
0x29: {  	v5 =	vsel vm8, $0x100, v5;
	[tilespmem:$0x1FEB0] =	vst v1;
	v17 =	vcombine.low v2, v1;
	v1 =	vunpack.c.0.s8.s32 v12  }
0x2a: {  	[tilespmem:$0x1FEC0] =	vst v2;
	v2 =	vunpack.c.0.s8.s32 v13;
	v4 =	vsel vm2, $0x0, v4;
	v5 =	vsel vm9, $0x180, v5  }
0x2b: {  	[tilespmem:$0x1FE30] =	vst v3;
	v12 =	vsel vm14, $0x300, v52;
	v4 =	vsel vm1, $0x80, v4;
	v5 =	vsel vm7, $0x280, v5  }
0x2c: {  	v3 =	vand.u32 $0xF, v17;
	[tilespmem:$0x1FEF0] =	vst v1;
	v17 =	vunpack.c.l.s4.s8 v54;
	v5 =	vsel vm6, $0x300, v5  }
0x2d: {  	s3 =	stileid.u32;
	[tilespmem:$0x1FED0] =	vst v3;
	v3 =	vsel vm5, $0x100, v4;
	v4 =	vsel vm4, $0x380, v5;
	v5 =	vcombine.low v2, v1  }
0x2e: {  	s0 =	rddreg [dreg:$0x0];
	v56 =	vimm.s32 $0x6543210F;
	s4 =	sshll.u32 s3, $0x1;
	s3 =	simm.s32 $0x0;
	v13 =	vunpack.c.l.s4.s8 v53;
	v12 =	vsel vm13, $0x380, v12;
	[tilespmem:$0x1FF00] =	vst v2  }
0x2f: {  	[smem:$0x7FF] =	sst s3;
	[tilespmem:$0x1FEE0] =	vst v3;
	v2 =	vunpack.c.0.s8.s32 v17;
	v1 =	vand.u32 $0xF, v5;
	v5 =	vsel vm12, $0x0, v12  }
0x30: {  	s2 =	rddreg [dreg:$0x1];
	v4 =	vsel vm3, $0x0, v4;
	_ =	strace $0x80000047;
	[tilespmem:$0x1FF10] =	vst v1;
	v1 =	vunpack.c.0.s8.s32 v13;
	v5 =	vsel vm11, $0x80, v5  }
0x31: {  	v4 =	vsel vm2, $0x80, v4;
	v12 =	vsel vm14, $0x380, v55;
	v5 =	vsel vm10, $0x100, v5  }
0x32: {  	v4 =	vsel vm1, $0x100, v4;
	v13 =	vcombine.low v2, v1;
	v5 =	vsel vm8, $0x180, v5  }
0x33: {  	[tilespmem:$0x1FF20] =	vst v1;
	v1 =	vsel vm5, $0x180, v4;
	v4 =	vsel vm9, $0x200, v5;
	v5 =	vsel vm13, $0x0, v12  }
0x34: {  	v57 =	vimm.s32 $0xEDCBA987;
	v59 =	vimm.s32 $0xFEDCBA98;
	v5 =	vsel vm12, $0x80, v5  }
0x35: {  	v60 =	vimm.s32 $0x76543210;
	v58 =	vunpack.c.l.s4.s8 v57;
	v5 =	vsel vm11, $0x100, v5  }
0x36: {  	v61 =	vunpack.c.l.s4.s8 v60;
	v9 =	vand.u32 $0xF, v11;
	[tilespmem:$0x1FFC0] =	vst v63;
	v5 =	vsel vm10, $0x180, v5  }
0x37: {  	[tilespmem:$0x1FF30] =	vst v2;
	v2 =	vunpack.c.0.s8.s32 v58;
	v4 =	vsel vm7, $0x300, v4;
	v5 =	vsel vm8, $0x200, v5  }
0x38: {  	s1 =	srdreg.scid;
	s8 =	simm.s32 $0x1C00;
	s25 =	simm.s32 $0x1;
	[tilespmem:$0x1FFD0] =	vst v6;
	v12 =	vunpack.c.l.s4.s8 v56;
	v4 =	vsel vm6, $0x380, v4;
	v5 =	vsel vm9, $0x280, v5  }
0x39: {  	s26 =	simm.s32 $0x9C00;
	s17 =	simm.s32 $0xE400;
	s9 =	simm.s32 $0xEC00;
	[tilespmem:$0x1FF40] =	vst v1;
	v1 =	vand.u32 $0xF, v13;
	v4 =	vsel vm4, $0x0, v4;
	v5 =	vsel vm7, $0x380, v5  }
0x3a: {  	s10 =	simm.s32 $0xF400;
	s11 =	simm.s32 $0xFC00;
	s12 =	simm.s32 $0x10400;
	[tilespmem:$0x1FF50] =	vst v1;
	v1 =	vunpack.c.0.s8.s32 v12;
	v4 =	vsel vm3, $0x80, v4;
	v5 =	vsel vm6, $0x0, v5  }
0x3b: {  	s13 =	simm.s32 $0x10C00;
	s14 =	simm.s32 $0x11400;
	s1 =	sand.u32 $0x1, s1;
	[tilespmem:$0x1FFE0] =	vst v8;
	v13 =	vunpack.c.l.s4.s8 v59;
	v4 =	vsel vm2, $0x100, v4;
	v5 =	vsel vm4, $0x80, v5  }
0x3c: {  	s15 =	simm.s32 $0x11C00;
	s16 =	simm.s32 $0x400;
	s5 =	sor.u32 s1, s4;
	[tilespmem:$0x1FFF0] =	vst v9;
	v62 =	vcombine.low v2, v1;
	v4 =	vsel vm1, $0x180, v4;
	v5 =	vsel vm3, $0x100, v5  }
0x3d: {  	s18 =	simm.s32 $0x2000;
	s1 =	ssub.s32 $0x2, s1;
	s4 =	smul.u32 $0x380, s5;
	v13 =	vunpack.c.0.s8.s32 v13;
	[tilespmem:$0x1FF60] =	vst v1;
	v1 =	vsel vm5, $0x200, v4;
	v5 =	vsel vm2, $0x180, v5  }
0x3e: {  	s19 =	simm.s32 $0x2;
	s20 =	simm.s32 $0x18400;
	s6 =	sshrl.u32 s1, $0x1;
	v12 =	vunpack.c.0.s8.s32 v61;
	[tilespmem:$0x1FF80] =	vst v1;
	v1 =	vand.u32 $0xF, v62;
	v4 =	vsel vm1, $0x200, v5  }
0x3f: {  	s22 =	simm.s32 $0x0;
	s30 =	ssub.s32 s1, s6;
	s7 =	sadd.s32 s4, s0;
	[tilespmem:$0x1FF90] =	vst v1;
	v5 =	vand.u32 $0xF, v13;
	v1 =	vsel vm5, $0x280, v4  }
0x40: {  	s6 =	smul.u32 $0x32, s5;
	s5 =	simm.s32 $0xD400;
	s31 =	sadd.s32 $0x400, s7;
	[tilespmem:$0x1FFA0] =	vst v1;
	v1 =	vcombine.low v5, v12  }
0x41: {  	s4 =	sadd.s32 $0x7400, s0;
	s0 =	smax.u32 s30, $0x1;
	[dreg:$0x3] =	wrdreg s31;
	[tilespmem:$0x1FF70] =	vst v2  }
0x42: {  	vm0 =	vmmov $0xffff;
	s7 =	simm.s32 $0xDC00;
	[dreg:$0x4] =	wrdreg s0;
	s0 =	simm.s32 $0xCC00;
	[tilespmem:$0x1FFB0] =	vst v1  }
.LBB2_1:
0x43: {  	[dreg:$0x5] =	wrdreg s22  }
0x44: {  	s1 =	rddreg [dreg:$0x3];
	s21 =	simm.s32 $0x5  }
0x45: {  	[tilespmem:s3], [sflag:$0x5] =	stream.linear.gather [hbm4b:s1+s3], $0x1900, $0x38;
	[tilespmem:$0x1EC00] =	vst v63  }
0x46: {  	_ =	swait.ge [sflag:s21], $0x1900  }
0x47: {  	[sflag:s21] =	ssyncset.done $0x0  }
0x48: {  	[sflag:s21] =	ssyncadd.s32 $0xFFFFE700  }
0x49: {  	v4 =	vld [tilespmem:$0x0];
	_ =	sdelay $0x2  }
0x4a: {  	v1 =	vld [tilespmem:$0x1FE10]  }
0x4b: {  	v2 =	vld [tilespmem:$0x1FDF0]  }
0x4c: {  	v3 =	vld [tilespmem:$0x1FE00];
	v5 =	vshll.u32 v4, $0x1  }
0x4d: {  	v4 =	vand.u32 $0x7, v4;
	v5 =	vand.u32 $0xFFFFFFF0, v5  }
0x4e: {  	v4 =	vor.u32 v4, v5  }
0x4f: {  	v5 =	vperm.xlane v4, v1;
	_ =	sdelay $0x1  }
0x50: {  	v4 =	vperm.xlane v4, v3;
	v5 =	vadd.s32 v2, v5;
	_ =	sdelay $0x1  }
0x51: {  	v4 =	vadd.s32 v2, v4;
	_ =	sdelay $0x2  }
0x52: {  	[tilespmem:s8], [sflag:$0x1] =	stream.indirect_vreg.gather [hbm4b:s4+s3], $0x80, v5, vm0, $0xb8;
	[tilespmem:$0x1EC00] =	vst v63  }
0x53: {  	s22 =	simm.s32 $0x2400  }
0x54: {  	[tilespmem:s22], [sflag:$0x1] =	stream.indirect_vreg.gather [hbm4b:s4+s3], $0x80, v4, vm0, $0xb8;
	[tilespmem:$0x1EC00] =	vst v63  }
0x55: {  	v4 =	vld [tilespmem:$0x10];
	_ =	sdelay $0x4  }
0x56: {  	v5 =	vshll.u32 v4, $0x1  }
0x57: {  	v4 =	vand.u32 $0x7, v4;
	v5 =	vand.u32 $0xFFFFFFF0, v5  }
0x58: {  	v4 =	vor.u32 v4, v5  }
0x59: {  	v5 =	vperm.xlane v4, v1;
	_ =	sdelay $0x1  }
0x5a: {  	v4 =	vperm.xlane v4, v3;
	v5 =	vadd.s32 v2, v5;
	_ =	sdelay $0x1  }
0x5b: {  	v4 =	vadd.s32 v2, v4;
	_ =	sdelay $0x1  }
0x5c: {  	s23 =	simm.s32 $0x2C00  }
0x5d: {  	[tilespmem:s23], [sflag:$0x1] =	stream.indirect_vreg.gather [hbm4b:s4+s3], $0x80, v5, vm0, $0xb8;
	[tilespmem:$0x1EC00] =	vst v63  }
0x5e: {  	s24 =	simm.s32 $0x3400  }
0x5f: {  	[tilespmem:s24], [sflag:$0x1] =	stream.indirect_vreg.gather [hbm4b:s4+s3], $0x80, v4, vm0, $0xb8;
	[tilespmem:$0x1EC00] =	vst v63  }
0x60: {  	v4 =	vld [tilespmem:$0x20];
	_ =	sdelay $0x4  }
0x61: {  	v5 =	vshll.u32 v4, $0x1  }
0x62: {  	v4 =	vand.u32 $0x7, v4;
	v5 =	vand.u32 $0xFFFFFFF0, v5  }
0x63: {  	v4 =	vor.u32 v4, v5  }
0x64: {  	v5 =	vperm.xlane v4, v1;
	_ =	sdelay $0x1  }
0x65: {  	v4 =	vperm.xlane v4, v3;
	v5 =	vadd.s32 v2, v5;
	_ =	sdelay $0x1  }
0x66: {  	v4 =	vadd.s32 v2, v4;
	_ =	sdelay $0x1  }
0x67: {  	s28 =	simm.s32 $0x3C00  }
0x68: {  	[tilespmem:s28], [sflag:$0x1] =	stream.indirect_vreg.gather [hbm4b:s4+s3], $0x80, v5, vm0, $0xb8;
	[tilespmem:$0x1EC00] =	vst v63  }
0x69: {  	s29 =	simm.s32 $0x4400  }
0x6a: {  	[tilespmem:s29], [sflag:$0x1] =	stream.indirect_vreg.gather [hbm4b:s4+s3], $0x80, v4, vm0, $0xb8;
	[tilespmem:$0x1EC00] =	vst v63  }
0x6b: {  	v4 =	vld [tilespmem:$0x30];
	_ =	sdelay $0x4  }
0x6c: {  	v5 =	vshll.u32 v4, $0x1  }
0x6d: {  	v4 =	vand.u32 $0x7, v4;
	v5 =	vand.u32 $0xFFFFFFF0, v5  }
0x6e: {  	v4 =	vor.u32 v4, v5  }
0x6f: {  	v5 =	vperm.xlane v4, v1;
	_ =	sdelay $0x1  }
0x70: {  	v4 =	vperm.xlane v4, v3;
	v5 =	vadd.s32 v2, v5;
	_ =	sdelay $0x1  }
0x71: {  	v4 =	vadd.s32 v2, v4;
	_ =	sdelay $0x1  }
0x72: {  	s30 =	simm.s32 $0x4C00  }
0x73: {  	[tilespmem:s30], [sflag:$0x1] =	stream.indirect_vreg.gather [hbm4b:s4+s3], $0x80, v5, vm0, $0xb8;
	[tilespmem:$0x1EC00] =	vst v63  }
0x74: {  	s31 =	simm.s32 $0x5400  }
0x75: {  	[tilespmem:s31], [sflag:$0x1] =	stream.indirect_vreg.gather [hbm4b:s4+s3], $0x80, v4, vm0, $0xb8;
	[tilespmem:$0x1EC00] =	vst v63  }
0x76: {  	v4 =	vld [tilespmem:$0x40];
	_ =	sdelay $0x4  }
0x77: {  	v5 =	vshll.u32 v4, $0x1  }
0x78: {  	v4 =	vand.u32 $0x7, v4;
	v5 =	vand.u32 $0xFFFFFFF0, v5  }
0x79: {  	v4 =	vor.u32 v4, v5  }
0x7a: {  	v5 =	vperm.xlane v4, v1;
	_ =	sdelay $0x1  }
0x7b: {  	v4 =	vperm.xlane v4, v3;
	v5 =	vadd.s32 v2, v5;
	_ =	sdelay $0x1  }
0x7c: {  	v4 =	vadd.s32 v2, v4;
	_ =	sdelay $0x1  }
0x7d: {  	s21 =	simm.s32 $0x5C00  }
0x7e: {  	[tilespmem:s21], [sflag:$0x1] =	stream.indirect_vreg.gather [hbm4b:s4+s3], $0x80, v5, vm0, $0xb8;
	[tilespmem:$0x1EC00] =	vst v63  }
0x7f: {  	s22 =	simm.s32 $0x6400  }
0x80: {  	[tilespmem:s22], [sflag:$0x1] =	stream.indirect_vreg.gather [hbm4b:s4+s3], $0x80, v4, vm0, $0xb8;
	[tilespmem:$0x1EC00] =	vst v63  }
0x81: {  	v4 =	vld [tilespmem:$0x50];
	_ =	sdelay $0x4  }
0x82: {  	v5 =	vshll.u32 v4, $0x1  }
0x83: {  	v4 =	vand.u32 $0x7, v4;
	v5 =	vand.u32 $0xFFFFFFF0, v5  }
0x84: {  	v4 =	vor.u32 v4, v5  }
0x85: {  	v5 =	vperm.xlane v4, v1;
	_ =	sdelay $0x1  }
0x86: {  	v4 =	vperm.xlane v4, v3;
	v5 =	vadd.s32 v2, v5;
	_ =	sdelay $0x1  }
0x87: {  	v4 =	vadd.s32 v2, v4;
	_ =	sdelay $0x1  }
0x88: {  	s23 =	simm.s32 $0x6C00  }
0x89: {  	[tilespmem:s23], [sflag:$0x1] =	stream.indirect_vreg.gather [hbm4b:s4+s3], $0x80, v5, vm0, $0xb8;
	[tilespmem:$0x1EC00] =	vst v63  }
0x8a: {  	s24 =	simm.s32 $0x7400  }
0x8b: {  	[tilespmem:s24], [sflag:$0x1] =	stream.indirect_vreg.gather [hbm4b:s4+s3], $0x80, v4, vm0, $0xb8;
	[tilespmem:$0x1EC00] =	vst v63  }
0x8c: {  	v4 =	vld [tilespmem:$0x60];
	_ =	sdelay $0x4  }
0x8d: {  	v5 =	vshll.u32 v4, $0x1  }
0x8e: {  	v4 =	vand.u32 $0x7, v4;
	v5 =	vand.u32 $0xFFFFFFF0, v5  }
0x8f: {  	v4 =	vor.u32 v4, v5  }
0x90: {  	v5 =	vperm.xlane v4, v1;
	_ =	sdelay $0x1  }
0x91: {  	v4 =	vperm.xlane v4, v3;
	v5 =	vadd.s32 v2, v5;
	_ =	sdelay $0x1  }
0x92: {  	v4 =	vadd.s32 v2, v4;
	_ =	sdelay $0x1  }
0x93: {  	s28 =	simm.s32 $0x7C00  }
0x94: {  	[tilespmem:s28], [sflag:$0x1] =	stream.indirect_vreg.gather [hbm4b:s4+s3], $0x80, v5, vm0, $0xb8;
	[tilespmem:$0x1EC00] =	vst v63  }
0x95: {  	s29 =	simm.s32 $0x8400  }
0x96: {  	[tilespmem:s29], [sflag:$0x1] =	stream.indirect_vreg.gather [hbm4b:s4+s3], $0x80, v4, vm0, $0xb8;
	[tilespmem:$0x1EC00] =	vst v63  }
0x97: {  	v4 =	vld [tilespmem:$0x70];
	_ =	sdelay $0x4  }
0x98: {  	v5 =	vshll.u32 v4, $0x1  }
0x99: {  	v4 =	vand.u32 $0x7, v4;
	v5 =	vand.u32 $0xFFFFFFF0, v5  }
0x9a: {  	v15 =	vld [tilespmem:$0x1FE80];
	v4 =	vor.u32 v4, v5  }
0x9b: {  	v7 =	vld [tilespmem:$0x1FE90];
	v5 =	vperm.xlane v4, v1  }
0x9c: {  	v10 =	vld [tilespmem:$0x1FEA0]  }
0x9d: {  	v11 =	vld [tilespmem:$0x1FED0];
	v4 =	vperm.xlane v4, v3;
	v5 =	vadd.s32 v2, v5  }
0x9e: {  	v14 =	vld [tilespmem:$0x1FEE0]  }
0x9f: {  	v21 =	vld [tilespmem:$0x1FF10];
	v4 =	vadd.s32 v2, v4  }
0xa0: {  	v26 =	vld [tilespmem:$0x1FF40]  }
0xa1: {  	v30 =	vld [tilespmem:$0x1FF50];
	s30 =	simm.s32 $0x8C00  }
0xa2: {  	v32 =	vld [tilespmem:$0x1FF80];
	[tilespmem:s30], [sflag:$0x1] =	stream.indirect_vreg.gather [hbm4b:s4+s3], $0x80, v5, vm0, $0xb8  }
0xa3: {  	v16 =	vld [tilespmem:$0x1FF90];
	s31 =	simm.s32 $0x9400;
	s21 =	simm.s32 $0x0  }
0xa4: {  	v33 =	vld [tilespmem:$0x1FFA0];
	[tilespmem:s31], [sflag:$0x1] =	stream.indirect_vreg.gather [hbm4b:s4+s3], $0x80, v4, vm0, $0xb8  }
.LBB2_2:
0xa5: {  	_ =	swait.ge [sflag:s25], $0x8000  }
0xa6: {  	p0 =	seq.s32 s21, $0x0;
	[sflag:s25] =	ssyncset.done $0x0  }
0xa7: {  	s23 =	sshll.u32 s21, $0x1;
	s24 =	simm.s32 @!p0 $0x3;
	[sflag:s25] =	ssyncadd.s32 $0xFFFF8000  }
0xa8: {  	s22 =	sor.u32 $0x1, s23;
	_ =	swait.ge @!p0 [sflag:s24], $0x6400  }
0xa9: {  	s28 =	sshll.u32 s22, $0x7;
	[sflag:s24] =	ssyncset.done @!p0 $0x0  }
0xaa: {  	[sflag:s24] =	ssyncadd.s32 @!p0 $0xFFFF9C00;
	s24 =	sand.u32 $0x3FFFFF80, s28  }
0xab: {  	v4 =	vld [tilespmem:s24+$0x0];
	_ =	sdelay $0x2  }
0xac: {  	v1 =	vld [tilespmem:$0x1FE10]  }
0xad: {  	v2 =	vld [tilespmem:$0x1FDF0]  }
0xae: {  	v3 =	vld [tilespmem:$0x1FE00];
	v5 =	vshll.u32 v4, $0x1  }
0xaf: {  	v4 =	vand.u32 $0x7, v4;
	v5 =	vand.u32 $0xFFFFFFF0, v5  }
0xb0: {  	v4 =	vor.u32 v4, v5  }
0xb1: {  	v5 =	vperm.xlane v4, v1;
	_ =	sdelay $0x1  }
0xb2: {  	v4 =	vperm.xlane v4, v3;
	v5 =	vadd.s32 v2, v5;
	_ =	sdelay $0x1  }
0xb3: {  	v4 =	vadd.s32 v2, v4;
	_ =	sdelay $0x1  }
0xb4: {  	s28 =	simm.s32 $0x0  }
0xb5: {  	[tilespmem:s26], [sflag:$0x2] =	stream.indirect_vreg.gather [hbm4b:s4+s28], $0x80, v5, vm0, $0xb8;
	[tilespmem:$0x1EC00] =	vst v63  }
0xb6: {  	s1 =	simm.s32 $0xA400  }
0xb7: {  	[tilespmem:s1], [sflag:$0x2] =	stream.indirect_vreg.gather [hbm4b:s4+s28], $0x80, v4, vm0, $0xb8;
	[tilespmem:$0x1EC00] =	vst v63  }
0xb8: {  	v4 =	vld [tilespmem:s24+$0x10];
	_ =	sdelay $0x4  }
0xb9: {  	v5 =	vshll.u32 v4, $0x1  }
0xba: {  	v4 =	vand.u32 $0x7, v4;
	v5 =	vand.u32 $0xFFFFFFF0, v5  }
0xbb: {  	v4 =	vor.u32 v4, v5  }
0xbc: {  	v5 =	vperm.xlane v4, v1;
	_ =	sdelay $0x1  }
0xbd: {  	v4 =	vperm.xlane v4, v3;
	v5 =	vadd.s32 v2, v5;
	_ =	sdelay $0x1  }
0xbe: {  	v4 =	vadd.s32 v2, v4;
	_ =	sdelay $0x1  }
0xbf: {  	s1 =	simm.s32 $0xAC00  }
0xc0: {  	[tilespmem:s1], [sflag:$0x2] =	stream.indirect_vreg.gather [hbm4b:s4+s28], $0x80, v5, vm0, $0xb8;
	[tilespmem:$0x1EC00] =	vst v63  }
0xc1: {  	s1 =	simm.s32 $0xB400  }
0xc2: {  	[tilespmem:s1], [sflag:$0x2] =	stream.indirect_vreg.gather [hbm4b:s4+s28], $0x80, v4, vm0, $0xb8;
	[tilespmem:$0x1EC00] =	vst v63  }
0xc3: {  	v4 =	vld [tilespmem:s24+$0x20];
	_ =	sdelay $0x4  }
0xc4: {  	v5 =	vshll.u32 v4, $0x1  }
0xc5: {  	v4 =	vand.u32 $0x7, v4;
	v5 =	vand.u32 $0xFFFFFFF0, v5  }
0xc6: {  	v4 =	vor.u32 v4, v5  }
0xc7: {  	v5 =	vperm.xlane v4, v1;
	_ =	sdelay $0x1  }
0xc8: {  	v4 =	vperm.xlane v4, v3;
	v5 =	vadd.s32 v2, v5;
	_ =	sdelay $0x1  }
0xc9: {  	v4 =	vadd.s32 v2, v4;
	_ =	sdelay $0x1  }
0xca: {  	s1 =	simm.s32 $0xBC00  }
0xcb: {  	[tilespmem:s1], [sflag:$0x2] =	stream.indirect_vreg.gather [hbm4b:s4+s28], $0x80, v5, vm0, $0xb8;
	[tilespmem:$0x1EC00] =	vst v63  }
0xcc: {  	s1 =	simm.s32 $0xC400  }
0xcd: {  	[tilespmem:s1], [sflag:$0x2] =	stream.indirect_vreg.gather [hbm4b:s4+s28], $0x80, v4, vm0, $0xb8;
	[tilespmem:$0x1EC00] =	vst v63  }
0xce: {  	v4 =	vld [tilespmem:s24+$0x30];
	_ =	sdelay $0x4  }
0xcf: {  	v5 =	vshll.u32 v4, $0x1  }
0xd0: {  	v4 =	vand.u32 $0x7, v4;
	v5 =	vand.u32 $0xFFFFFFF0, v5  }
0xd1: {  	v4 =	vor.u32 v4, v5  }
0xd2: {  	v5 =	vperm.xlane v4, v1;
	_ =	sdelay $0x1  }
0xd3: {  	v4 =	vperm.xlane v4, v3;
	v5 =	vadd.s32 v2, v5;
	_ =	sdelay $0x1  }
0xd4: {  	v4 =	vadd.s32 v2, v4;
	_ =	sdelay $0x2  }
0xd5: {  	[tilespmem:s0], [sflag:$0x2] =	stream.indirect_vreg.gather [hbm4b:s4+s28], $0x80, v5, vm0, $0xb8;
	[tilespmem:$0x1EC00] =	vst v63  }
0xd6: {  	_ = 	snop  }
0xd7: {  	[tilespmem:s5], [sflag:$0x2] =	stream.indirect_vreg.gather [hbm4b:s4+s28], $0x80, v4, vm0, $0xb8;
	[tilespmem:$0x1EC00] =	vst v63  }
0xd8: {  	v4 =	vld [tilespmem:s24+$0x40];
	_ =	sdelay $0x4  }
0xd9: {  	v5 =	vshll.u32 v4, $0x1  }
0xda: {  	v4 =	vand.u32 $0x7, v4;
	v5 =	vand.u32 $0xFFFFFFF0, v5  }
0xdb: {  	v4 =	vor.u32 v4, v5  }
0xdc: {  	v5 =	vperm.xlane v4, v1;
	_ =	sdelay $0x1  }
0xdd: {  	v4 =	vperm.xlane v4, v3;
	v5 =	vadd.s32 v2, v5;
	_ =	sdelay $0x1  }
0xde: {  	v4 =	vadd.s32 v2, v4;
	_ =	sdelay $0x2  }
0xdf: {  	[tilespmem:s7], [sflag:$0x2] =	stream.indirect_vreg.gather [hbm4b:s4+s28], $0x80, v5, vm0, $0xb8;
	[tilespmem:$0x1EC00] =	vst v63  }
0xe0: {  	_ = 	snop  }
0xe1: {  	[tilespmem:s17], [sflag:$0x2] =	stream.indirect_vreg.gather [hbm4b:s4+s28], $0x80, v4, vm0, $0xb8;
	[tilespmem:$0x1EC00] =	vst v63  }
0xe2: {  	v4 =	vld [tilespmem:s24+$0x50];
	_ =	sdelay $0x4  }
0xe3: {  	v5 =	vshll.u32 v4, $0x1  }
0xe4: {  	v4 =	vand.u32 $0x7, v4;
	v5 =	vand.u32 $0xFFFFFFF0, v5  }
0xe5: {  	v4 =	vor.u32 v4, v5  }
0xe6: {  	v5 =	vperm.xlane v4, v1;
	_ =	sdelay $0x1  }
0xe7: {  	v4 =	vperm.xlane v4, v3;
	v5 =	vadd.s32 v2, v5;
	_ =	sdelay $0x1  }
0xe8: {  	v4 =	vadd.s32 v2, v4;
	_ =	sdelay $0x2  }
0xe9: {  	[tilespmem:s9], [sflag:$0x2] =	stream.indirect_vreg.gather [hbm4b:s4+s28], $0x80, v5, vm0, $0xb8;
	[tilespmem:$0x1EC00] =	vst v63  }
0xea: {  	_ = 	snop  }
0xeb: {  	[tilespmem:s10], [sflag:$0x2] =	stream.indirect_vreg.gather [hbm4b:s4+s28], $0x80, v4, vm0, $0xb8;
	[tilespmem:$0x1EC00] =	vst v63  }
0xec: {  	v4 =	vld [tilespmem:s24+$0x60];
	_ =	sdelay $0x4  }
0xed: {  	v5 =	vshll.u32 v4, $0x1  }
0xee: {  	v4 =	vand.u32 $0x7, v4;
	v5 =	vand.u32 $0xFFFFFFF0, v5  }
0xef: {  	v4 =	vor.u32 v4, v5  }
0xf0: {  	v5 =	vperm.xlane v4, v1;
	_ =	sdelay $0x1  }
0xf1: {  	v4 =	vperm.xlane v4, v3;
	v5 =	vadd.s32 v2, v5;
	_ =	sdelay $0x1  }
0xf2: {  	v4 =	vadd.s32 v2, v4;
	_ =	sdelay $0x2  }
0xf3: {  	[tilespmem:s11], [sflag:$0x2] =	stream.indirect_vreg.gather [hbm4b:s4+s28], $0x80, v5, vm0, $0xb8;
	[tilespmem:$0x1EC00] =	vst v63  }
0xf4: {  	_ = 	snop  }
0xf5: {  	[tilespmem:s12], [sflag:$0x2] =	stream.indirect_vreg.gather [hbm4b:s4+s28], $0x80, v4, vm0, $0xb8;
	[tilespmem:$0x1EC00] =	vst v63  }
0xf6: {  	v4 =	vld [tilespmem:s24+$0x70];
	_ =	sdelay $0x4  }
0xf7: {  	v5 =	vshll.u32 v4, $0x1  }
0xf8: {  	s1 =	simm.s32 $0x0;
	v4 =	vand.u32 $0x7, v4;
	v5 =	vand.u32 $0xFFFFFFF0, v5  }
0xf9: {  	v12 =	vmov s1;
	v4 =	vor.u32 v4, v5  }
0xfa: {  	v13 =	vor.u32 s1, v0;
	v12 =	vshll.u32 v12, $0x3;
	v5 =	vperm.xlane v4, v1  }
0xfb: {  	v18 =	vand.u32 $0x7F, v13;
	v12 =	vand.u32 $0x400, v12;
	s24 =	simm.s32 $0x0  }
0xfc: {  	v17 =	vor.u32 s24, v0;
	v4 =	vperm.xlane v4, v3;
	v5 =	vadd.s32 v2, v5  }
0xfd: {  	v12 =	vor.u32 v12, v18;
	v19 =	vshll.u32 v17, $0x8  }
0xfe: {  	v18 =	vand.u32 $0xFFFFF800, v19;
	v19 =	vor.u32 v6, v12;
	v4 =	vadd.s32 v2, v4  }
0xff: {  	v18 =	vor.u32 v18, v19;
	_ =	sdelay $0x1  }
0x100: {  	[tilespmem:s13], [sflag:$0x2] =	stream.indirect_vreg.gather [hbm4b:s4+s28], $0x80, v5, vm0, $0xb8;
	v5 =	vmov s24;
	[tilespmem:$0x1EC00] =	vst v63  }
0x101: {  	v13 =	vshll.u32 v13, $0x7;
	v20 =	vor.u32 s24, v63;
	v5 =	vand.u32 $0xFFFFFF80, v5  }
0x102: {  	[tilespmem:s14], [sflag:$0x2] =	stream.indirect_vreg.gather [hbm4b:s4+s28], $0x80, v4, vm0, $0xb8;
	v4 =	vand.u32 $0x7F, v17;
	v17 =	vshll.u32 v20, $0x8;
	v41 =	vadd.s32 v5, v13;
	[tilespmem:$0x1EC00] =	vst v63  }
0x103: {  	v5 =	vand.u32 $0xFFFFF800, v17;
	v13 =	vld.idx.msk [tilespmem:v18+s8+$0x0], $0xffff;
	v4 =	vor.u32 v4, v41;
	v17 =	vor.u32 v8, v12  }
0x104: {  	v5 =	vor.u32 v5, v17;
	_ =	sdelay $0x2  }
0x105: {  	v18 =	vor.u32 s24, v9  }
0x106: {  	v20 =	vand.u32 $0x7F, v20;
	v24 =	vshll.u32 v18, $0x8;
	[tilespmem:v4+s15+$0x0] =	vst.idx.msk $0xffff, v13  }
0x107: {  	v13 =	vor.u32 v20, v41;
	v20 =	vor.u32 v15, v12;
	v4 =	vld.idx.msk [tilespmem:v5+s8+$0x0], $0xffff;
	v5 =	vand.u32 $0xFFFFF800, v24  }
0x108: {  	v5 =	vor.u32 v5, v20;
	_ =	sdelay $0x2  }
0x109: {  	v24 =	vor.u32 s24, v7  }
0x10a: {  	v18 =	vand.u32 $0x7F, v18;
	v25 =	vshll.u32 v24, $0x8;
	[tilespmem:v13+s15+$0x0] =	vst.idx.msk $0xffff, v4  }
0x10b: {  	v18 =	vor.u32 v18, v41;
	v13 =	vand.u32 $0xFFFFF800, v25;
	v4 =	vor.u32 v10, v12;
	v5 =	vld.idx.msk [tilespmem:v5+s8+$0x0], $0xffff  }
0x10c: {  	v13 =	vor.u32 v13, v4;
	_ =	sdelay $0x2  }
0x10d: {  	v25 =	vor.u32 s24, v11  }
0x10e: {  	[tilespmem:v18+s15+$0x0] =	vst.idx.msk $0xffff, v5;
	v5 =	vand.u32 $0x7F, v24;
	v18 =	vshll.u32 v25, $0x8  }
0x10f: {  	v38 =	vor.u32 v14, v12;
	v13 =	vld.idx.msk [tilespmem:v13+s8+$0x0], $0xffff;
	v18 =	vand.u32 $0xFFFFF800, v18;
	v5 =	vor.u32 v5, v41  }
0x110: {  	v18 =	vor.u32 v18, v38;
	_ =	sdelay $0x2  }
0x111: {  	v24 =	vor.u32 s24, v21  }
0x112: {  	[tilespmem:v5+s15+$0x0] =	vst.idx.msk $0xffff, v13;
	v5 =	vand.u32 $0x7F, v25;
	v13 =	vshll.u32 v24, $0x8  }
0x113: {  	v44 =	vor.u32 v26, v12;
	v18 =	vld.idx.msk [tilespmem:v18+s8+$0x0], $0xffff;
	v13 =	vand.u32 $0xFFFFF800, v13;
	v5 =	vor.u32 v5, v41  }
0x114: {  	v13 =	vor.u32 v13, v44;
	_ =	sdelay $0x2  }
0x115: {  	v34 =	vor.u32 s24, v30  }
0x116: {  	v35 =	vshll.u32 v34, $0x8;
	v24 =	vand.u32 $0x7F, v24;
	[tilespmem:v5+s15+$0x0] =	vst.idx.msk $0xffff, v18  }
0x117: {  	s29 =	simm.s32 $0x0;
	v39 =	vor.u32 v32, v12;
	v18 =	vor.u32 v24, v41;
	v5 =	vld.idx.msk [tilespmem:v13+s8+$0x0], $0xffff;
	v13 =	vand.u32 $0xFFFFF800, v35  }
0x118: {  	v28 =	vor.u32 s29, v0;
	v25 =	vmov s29;
	v13 =	vor.u32 v13, v39  }
0x119: {  	v43 =	vor.u32 v33, v12;
	v34 =	vand.u32 $0x7F, v34;
	s28 =	simm.s32 $0x10;
	v25 =	vshll.u32 v25, $0x3;
	v1 =	vld [tilespmem:$0x1FE40]  }
0x11a: {  	v29 =	vor.u32 s28, v0;
	v25 =	vand.u32 $0x400, v25;
	v24 =	vand.u32 $0x7F, v28;
	v2 =	vld [tilespmem:$0x1FE50]  }
0x11b: {  	v47 =	vshll.u32 v29, $0x8;
	v50 =	vor.u32 v25, v24;
	v25 =	vor.u32 s24, v16  }
0x11c: {  	v24 =	vand.u32 $0xFFFFF800, v47;
	v40 =	vor.u32 v6, v50;
	v36 =	vshll.u32 v25, $0x8;
	[tilespmem:v18+s15+$0x0] =	vst.idx.msk $0xffff, v5  }
0x11d: {  	v24 =	vor.u32 v24, v40;
	v5 =	vand.u32 $0xFFFFF800, v36;
	v18 =	vor.u32 v34, v41;
	v13 =	vld.idx.msk [tilespmem:v13+s8+$0x0], $0xffff  }
0x11e: {  	v55 =	vmov s28;
	v5 =	vor.u32 v5, v43  }
0x11f: {  	v56 =	vand.u32 $0xFFFFFF80, v55;
	v28 =	vshll.u32 v28, $0x7;
	v53 =	vcombine.low v1, v2;
	v1 =	vld [tilespmem:$0x1FE20]  }
0x120: {  	v3 =	vmovc v15;
	v29 =	vand.u32 $0x7F, v29;
	v12 =	vor.u32 s28, v63;
	v42 =	vadd.s32 v56, v28;
	v15 =	vld [tilespmem:$0x1FFB0]  }
0x121: {  	v57 =	vshll.u32 v12, $0x8;
	v29 =	vor.u32 v29, v42;
	v2 =	vld [tilespmem:$0x1FE30]  }
0x122: {  	v28 =	vand.u32 $0xFFFFF800, v57;
	v49 =	vor.u32 v8, v50;
	v25 =	vand.u32 $0x7F, v25;
	v24 =	vld.idx.msk [tilespmem:v24+s8+$0x0], $0xffff;
	[tilespmem:v18+s15+$0x0] =	vst.idx.msk $0xffff, v13  }
0x123: {  	v28 =	vor.u32 v28, v49;
	v25 =	vor.u32 v25, v41;
	v5 =	vld.idx.msk [tilespmem:v5+s8+$0x0], $0xffff;
	_ =	sdelay $0x1  }
0x124: {  	v37 =	vor.u32 s24, v15  }
0x125: {  	v18 =	vshll.u32 v37, $0x8  }
0x126: {  	[tilespmem:v29+s15+$0x0] =	vst.idx.msk $0xffff, v24;
	v18 =	vand.u32 $0xFFFFF800, v18  }
0x127: {  	v12 =	vand.u32 $0x7F, v12;
	v18 =	vor.u32 v18, v19;
	v19 =	vld.idx.msk [tilespmem:v28+s8+$0x0], $0xffff;
	[tilespmem:v25+s15+$0x0] =	vst.idx.msk $0xffff, v5  }
0x128: {  	v12 =	vor.u32 v12, v42;
	v58 =	vcombine.low v1, v2;
	v1 =	vld [tilespmem:$0x1FF60]  }
0x129: {  	v2 =	vld [tilespmem:$0x1FF70];
	_ =	sdelay $0x3  }
0x12a: {  	[tilespmem:v12+s15+$0x0] =	vst.idx.msk $0xffff, v19  }
0x12b: {  	v45 =	vcombine.low v1, v2;
	v1 =	vld [tilespmem:$0x1FEB0]  }
0x12c: {  	v2 =	vld [tilespmem:$0x1FEC0];
	_ =	sdelay $0x4  }
0x12d: {  	v59 =	vor.u32 s28, v9;
	v12 =	vcombine.low v1, v2;
	v1 =	vld [tilespmem:$0x1FEF0]  }
0x12e: {  	v13 =	vshll.u32 v59, $0x8;
	v2 =	vld [tilespmem:$0x1FF00]  }
0x12f: {  	v48 =	vor.u32 v3, v50;
	v13 =	vand.u32 $0xFFFFF800, v13;
	v36 =	vand.u32 $0xF, v58  }
0x130: {  	v13 =	vor.u32 v13, v48;
	v28 =	vor.u32 s24, v36  }
0x131: {  	v29 =	vand.u32 $0x7F, v37;
	v61 =	vshll.u32 v28, $0x8  }
0x132: {  	v29 =	vor.u32 v29, v41;
	v5 =	vand.u32 $0xFFFFF800, v61;
	v18 =	vld.idx.msk [tilespmem:v18+s8+$0x0], $0xffff  }
0x133: {  	v24 =	vor.u32 s28, v7;
	v5 =	vor.u32 v5, v17;
	v19 =	vcombine.low v1, v2;
	v1 =	vld [tilespmem:$0x1FE60]  }
0x134: {  	v35 =	vand.u32 $0x7F, v59;
	v47 =	vor.u32 v10, v50;
	v60 =	vshll.u32 v24, $0x8;
	v2 =	vld [tilespmem:$0x1FE70]  }
0x135: {  	v34 =	vor.u32 v35, v42;
	v51 =	vand.u32 $0xF, v53;
	v25 =	vand.u32 $0xFFFFF800, v60;
	v13 =	vld.idx.msk [tilespmem:v13+s8+$0x0], $0xffff  }
0x136: {  	v55 =	vor.u32 v14, v50;
	v54 =	vor.u32 s24, v51;
	v17 =	vor.u32 v25, v47  }
0x137: {  	v62 =	vshll.u32 v54, $0x8;
	v28 =	vand.u32 $0x7F, v28;
	v25 =	vor.u32 s28, v11;
	[tilespmem:v29+s15+$0x0] =	vst.idx.msk $0xffff, v18  }
0x138: {  	v24 =	vand.u32 $0x7F, v24;
	v28 =	vor.u32 v28, v41;
	v46 =	vshll.u32 v25, $0x8;
	v57 =	vld.idx.msk [tilespmem:v5+s8+$0x0], $0xffff  }
0x139: {  	v46 =	vand.u32 $0xFFFFF800, v46;
	v18 =	vand.u32 $0xFFFFF800, v62;
	v35 =	vcombine.low v1, v2;
	v1 =	vld [tilespmem:$0x1FF20]  }
0x13a: {  	v29 =	vor.u32 v24, v42;
	v18 =	vor.u32 v18, v20;
	v5 =	vor.u32 s28, v21;
	v2 =	vld [tilespmem:$0x1FF30];
	[tilespmem:v34+s15+$0x0] =	vst.idx.msk $0xffff, v13  }
0x13b: {  	s29 =	simm.s32 $0x0;
	v20 =	vshll.u32 v5, $0x8;
	v37 =	vand.u32 $0xF, v35;
	v35 =	vand.u32 $0xF, v12;
	v12 =	vld.idx.msk [tilespmem:v17+s8+$0x0], $0xffff  }
0x13c: {  	v61 =	vor.u32 v46, v55;
	v24 =	vor.u32 s29, v0;
	v20 =	vand.u32 $0xFFFFF800, v20  }
0x13d: {  	v27 =	vmovc v26;
	v22 =	vmovc v16;
	v34 =	vand.u32 $0xF, v19;
	v19 =	vmov s29;
	v13 =	vand.u32 $0x7F, v54  }
0x13e: {  	v54 =	vor.u32 v26, v50;
	v26 =	vmovc v10;
	v10 =	vmovc v11;
	v11 =	vmov v14;
	v56 =	vor.u32 s24, v37  }
0x13f: {  	v14 =	vmovc v21;
	[tilespmem:v28+s15+$0x0] =	vst.idx.msk $0xffff, v57;
	v58 =	vor.u32 v13, v41;
	v17 =	vand.u32 $0x7F, v25;
	v25 =	vshll.u32 v56, $0x8  }
0x140: {  	v52 =	vor.u32 s24, v34;
	v20 =	vor.u32 v20, v54;
	v59 =	vld.idx.msk [tilespmem:v18+s8+$0x0], $0xffff;
	v25 =	vand.u32 $0xFFFFF800, v25;
	[tilespmem:v29+s15+$0x0] =	vst.idx.msk $0xffff, v12  }
0x141: {  	v21 =	vmovc v27;
	v18 =	vshll.u32 v24, $0x7;
	v13 =	vor.u32 v17, v42;
	v60 =	vor.u32 v25, v4;
	v17 =	vld.idx.msk [tilespmem:v61+s8+$0x0], $0xffff  }
0x142: {  	s29 =	simm.s32 $0x20;
	v57 =	vor.u32 s24, v35;
	v46 =	vcombine.low v1, v2;
	v1 =	vmovc v3;
	v2 =	vmovc v30;
	v4 =	vor.u32 s28, v16  }
0x143: {  	s30 =	simm.s32 $0x20;
	s31 =	simm.s32 $0x3;
	v25 =	vor.u32 s29, v0;
	v16 =	vmovc v7;
	v7 =	vmovc v33;
	v12 =	vor.u32 s28, v30;
	v30 =	vmov v22  }
.LBB2_3:
0x144: {  	p1 =	sne.s32 s31, $0x67;
	v24 =	vand.u32 $0x7F, v24;
	v19 =	vshll.u32 v19, $0x3;
	v28 =	vand.u32 $0x7F, v56  }
0x145: {  	v5 =	vand.u32 $0x7F, v5;
	v29 =	vshll.u32 v12, $0x8;
	v56 =	vshll.u32 v57, $0x8;
	[tilespmem:v58+s15+$0x0] =	vst.idx.msk $0xffff, v59  }
0x146: {  	v58 =	vshll.u32 v25, $0x8;
	v19 =	vand.u32 $0x400, v19;
	[tilespmem:v13+s15+$0x0] =	vst.idx.msk $0xffff, v17;
	v13 =	vld.idx.msk [tilespmem:v60+s8+$0x0], $0xffff;
	v17 =	vand.u32 $0xFFFFF800, v56  }
0x147: {  	v28 =	vor.u32 v28, v41;
	v19 =	vor.u32 v19, v24;
	v24 =	vand.u32 $0xFFFFF800, v29;
	v20 =	vld.idx.msk [tilespmem:v20+s8+$0x0], $0xffff  }
0x148: {  	v5 =	vor.u32 v5, v42;
	v29 =	vor.u32 v32, v50;
	v17 =	vor.u32 v17, v38;
	v38 =	vmovc v55  }
0x149: {  	v55 =	vand.u32 $0xFFFFF800, v58;
	v56 =	vor.u32 v6, v19;
	v24 =	vor.u32 v24, v29  }
0x14a: {  	v59 =	vor.u32 s29, v63;
	v58 =	vmov s29;
	v55 =	vor.u32 v55, v56  }
0x14b: {  	v12 =	vand.u32 $0x7F, v12;
	v57 =	vand.u32 $0x7F, v57;
	v60 =	vshll.u32 v52, $0x8  }
0x14c: {  	v62 =	vshll.u32 v4, $0x8;
	v25 =	vand.u32 $0x7F, v25;
	v61 =	vshll.u32 v59, $0x8;
	[tilespmem:v28+s15+$0x0] =	vst.idx.msk $0xffff, v13  }
0x14d: {  	v13 =	vand.u32 $0xFFFFFF80, v58;
	[tilespmem:v5+s15+$0x0] =	vst.idx.msk $0xffff, v20;
	v5 =	vand.u32 $0xFFFFF800, v62;
	v17 =	vld.idx.msk [tilespmem:v17+s8+$0x0], $0xffff;
	v20 =	vand.u32 $0xFFFFF800, v60  }
0x14e: {  	v28 =	vor.u32 v57, v41;
	v13 =	vadd.s32 v13, v18;
	v18 =	vand.u32 $0xFFFFF800, v61;
	v24 =	vld.idx.msk [tilespmem:v24+s8+$0x0], $0xffff  }
0x14f: {  	v12 =	vor.u32 v12, v42;
	v57 =	vor.u32 v7, v50;
	v20 =	vor.u32 v20, v44;
	v55 =	vld.idx.msk [tilespmem:v55+s8+$0x0], $0xffff  }
0x150: {  	v58 =	vor.u32 v8, v19;
	v50 =	vmovc v19;
	v25 =	vor.u32 v25, v13;
	v5 =	vor.u32 v5, v57  }
0x151: {  	v19 =	vand.u32 $0xF, v46;
	v18 =	vor.u32 v18, v58;
	v44 =	vmov v54  }
0x152: {  	v60 =	vor.u32 s28, v15;
	v19 =	vor.u32 s24, v19;
	v54 =	vor.u32 s29, v9  }
0x153: {  	v4 =	vand.u32 $0x7F, v4;
	[tilespmem:v28+s15+$0x0] =	vst.idx.msk $0xffff, v17;
	v17 =	vand.u32 $0x7F, v52;
	v28 =	vshll.u32 v19, $0x8  }
0x154: {  	v52 =	vand.u32 $0x7F, v59;
	v59 =	vshll.u32 v54, $0x8;
	[tilespmem:v12+s15+$0x0] =	vst.idx.msk $0xffff, v24;
	v12 =	vshll.u32 v60, $0x8;
	v20 =	vld.idx.msk [tilespmem:v20+s8+$0x0], $0xffff  }
0x155: {  	v17 =	vor.u32 v17, v41;
	v24 =	vand.u32 $0xFFFFF800, v28;
	[tilespmem:v25+s15+$0x0] =	vst.idx.msk $0xffff, v55;
	v5 =	vld.idx.msk [tilespmem:v5+s8+$0x0], $0xffff;
	v12 =	vand.u32 $0xFFFFF800, v12  }
0x156: {  	v4 =	vor.u32 v4, v42;
	v25 =	vand.u32 $0xFFFFF800, v59;
	v24 =	vor.u32 v24, v39;
	v39 =	vmovc v29;
	v18 =	vld.idx.msk [tilespmem:v18+s8+$0x0], $0xffff  }
0x157: {  	v28 =	vor.u32 v52, v13;
	v29 =	vor.u32 v1, v50;
	v12 =	vor.u32 v12, v40;
	v40 =	vmovc v56  }
0x158: {  	v52 =	vand.u32 $0xF, v45;
	v25 =	vor.u32 v25, v29  }
0x159: {  	v55 =	vor.u32 s29, v16;
	v52 =	vor.u32 s24, v52;
	s24 =	smov.u32 s28;
	v56 =	vor.u32 s28, v36;
	s28 =	smov.u32 s29  }
0x15a: {  	v59 =	vand.u32 $0x7F, v60;
	[tilespmem:v17+s15+$0x0] =	vst.idx.msk $0xffff, v20;
	v17 =	vand.u32 $0x7F, v19;
	v19 =	vshll.u32 v52, $0x8  }
0x15b: {  	v20 =	vand.u32 $0x7F, v54;
	v54 =	vshll.u32 v55, $0x8;
	[tilespmem:v4+s15+$0x0] =	vst.idx.msk $0xffff, v5;
	v4 =	vshll.u32 v56, $0x8;
	v5 =	vld.idx.msk [tilespmem:v24+s8+$0x0], $0xffff  }
0x15c: {  	v17 =	vor.u32 v17, v41;
	[tilespmem:v28+s15+$0x0] =	vst.idx.msk $0xffff, v18;
	v12 =	vld.idx.msk [tilespmem:v12+s8+$0x0], $0xffff;
	v4 =	vand.u32 $0xFFFFF800, v4;
	v18 =	vand.u32 $0xFFFFF800, v19  }
0x15d: {  	v24 =	vand.u32 $0xFFFFF800, v54;
	v19 =	vld.idx.msk [tilespmem:v25+s8+$0x0], $0xffff;
	v25 =	vor.u32 v59, v42;
	v18 =	vor.u32 v18, v43;
	v43 =	vmovc v57  }
0x15e: {  	v20 =	vor.u32 v20, v13;
	v28 =	vor.u32 v26, v50;
	v4 =	vor.u32 v4, v49;
	v49 =	vmovc v58  }
0x15f: {  	v24 =	vor.u32 v24, v28  }
0x160: {  	v54 =	vand.u32 $0xF, v53  }
0x161: {  	v54 =	vor.u32 s24, v54;
	v57 =	vor.u32 s28, v10;
	[tilespmem:v17+s15+$0x0] =	vst.idx.msk $0xffff, v5  }
0x162: {  	v5 =	vand.u32 $0x7F, v56;
	[tilespmem:v25+s15+$0x0] =	vst.idx.msk $0xffff, v12;
	v12 =	vshll.u32 v54, $0x8;
	v17 =	vld.idx.msk [tilespmem:v18+s8+$0x0], $0xffff;
	v18 =	vand.u32 $0x7F, v52  }
0x163: {  	[tilespmem:v20+s15+$0x0] =	vst.idx.msk $0xffff, v19;
	v19 =	vand.u32 $0x7F, v55;
	v20 =	vshll.u32 v57, $0x8;
	v4 =	vld.idx.msk [tilespmem:v4+s8+$0x0], $0xffff;
	v18 =	vor.u32 v18, v41  }
0x164: {  	v56 =	vor.u32 v5, v42;
	v5 =	vand.u32 $0xFFFFF800, v12;
	v41 =	vmovc v42;
	v42 =	vmovc v13;
	v25 =	vld.idx.msk [tilespmem:v24+s8+$0x0], $0xffff;
	v20 =	vand.u32 $0xFFFFF800, v20  }
0x165: {  	v55 =	vor.u32 v11, v50;
	v12 =	vor.u32 v19, v42;
	v13 =	vor.u32 v5, v48;
	v48 =	vmovc v29  }
0x166: {  	s29 =	sshrl.u32 s31, $0x3;
	v20 =	vor.u32 v20, v55  }
0x167: {  	s1 =	sshll.u32 s29, $0x4  }
0x168: {  	v52 =	vor.u32 s24, v34;
	v19 =	vmov s1;
	v24 =	vor.u32 s1, v0;
	[tilespmem:v18+s15+$0x0] =	vst.idx.msk $0xffff, v17  }
0x169: {  	v5 =	vor.u32 s28, v14;
	[tilespmem:v56+s15+$0x0] =	vst.idx.msk $0xffff, v4;
	v4 =	vand.u32 $0x7F, v54;
	v56 =	vor.u32 s24, v37  }
.Ltmp0:
0x16a: {  	v18 =	vshll.u32 v5, $0x8;
	[tilespmem:v12+s15+$0x0] =	vst.idx.msk $0xffff, v25;
	v12 =	vand.u32 $0x7F, v57;
	v59 =	vld.idx.msk [tilespmem:v13+s8+$0x0], $0xffff;
	v13 =	vshll.u32 v56, $0x8;
	(pc) =	sbr.rel @p1 .LBB2_3-.Ltmp0, $4  }
0x16b: {  	v18 =	vand.u32 $0xFFFFF800, v18;
	v58 =	vor.u32 v4, v41;
	v17 =	vld.idx.msk [tilespmem:v20+s8+$0x0], $0xffff;
	v4 =	vand.u32 $0xFFFFF800, v13  }
0x16c: {  	s30 =	sadd.s32 $0x10, s30;
	s1 =	sshll.u32 s29, $0x7;
	v54 =	vor.u32 v21, v50;
	v13 =	vor.u32 v12, v42;
	v60 =	vor.u32 v4, v47;
	v47 =	vmovc v28  }
0x16d: {  	s29 =	ssub.s32 s30, s1;
	v57 =	vor.u32 s24, v35;
	v20 =	vor.u32 v18, v54;
	v4 =	vor.u32 s28, v30  }
0x16e: {  	s31 =	sadd.s32 $0x1, s31;
	v25 =	vor.u32 s29, v0;
	v18 =	vshll.u32 v24, $0x7;
	v12 =	vor.u32 s28, v2  }
0x16f: {  	v19 =	vshll.u32 v19, $0x3  }
0x170: {  	v24 =	vand.u32 $0x7F, v24;
	v19 =	vand.u32 $0x400, v19  }
0x171: {  	v28 =	vshll.u32 v25, $0x8;
	v24 =	vor.u32 v19, v24  }
0x172: {  	v19 =	vand.u32 $0xFFFFF800, v28;
	v28 =	vor.u32 v6, v24  }
0x173: {  	v19 =	vor.u32 v19, v28;
	_ =	sdelay $0x1  }
0x174: {  	v29 =	vmov s29  }
0x175: {  	v61 =	vor.u32 s29, v63;
	v29 =	vand.u32 $0xFFFFFF80, v29  }
0x176: {  	v25 =	vand.u32 $0x7F, v25;
	v62 =	vshll.u32 v61, $0x8;
	v53 =	vadd.s32 v29, v18  }
0x177: {  	v18 =	vand.u32 $0xFFFFF800, v62;
	v25 =	vor.u32 v25, v53;
	v29 =	vor.u32 v8, v24;
	v19 =	vld.idx.msk [tilespmem:v19+s8+$0x0], $0xffff  }
0x178: {  	v18 =	vor.u32 v18, v29;
	_ =	sdelay $0x2  }
0x179: {  	v0 =	vor.u32 s29, v9  }
0x17a: {  	v61 =	vand.u32 $0x7F, v61;
	v3 =	vshll.u32 v0, $0x8;
	[tilespmem:v25+s15+$0x0] =	vst.idx.msk $0xffff, v19  }
0x17b: {  	v19 =	vand.u32 $0xFFFFF800, v3;
	v25 =	vor.u32 v61, v53;
	v61 =	vor.u32 v1, v24;
	v18 =	vld.idx.msk [tilespmem:v18+s8+$0x0], $0xffff  }
0x17c: {  	v19 =	vor.u32 v19, v61;
	_ =	sdelay $0x2  }
0x17d: {  	v33 =	vor.u32 s29, v16  }
0x17e: {  	v22 =	vmov v8;
	v62 =	vand.u32 $0x7F, v0;
	v8 =	vshll.u32 v33, $0x8;
	[tilespmem:v25+s15+$0x0] =	vst.idx.msk $0xffff, v18  }
0x17f: {  	v8 =	vand.u32 $0xFFFFF800, v8;
	v25 =	vor.u32 v26, v24;
	v18 =	vld.idx.msk [tilespmem:v19+s8+$0x0], $0xffff;
	v19 =	vor.u32 v62, v53  }
0x180: {  	v8 =	vor.u32 v8, v25;
	_ =	sdelay $0x2  }
0x181: {  	v0 =	vor.u32 s29, v10  }
0x182: {  	[tilespmem:v19+s15+$0x0] =	vst.idx.msk $0xffff, v18;
	v18 =	vand.u32 $0x7F, v33;
	v19 =	vshll.u32 v0, $0x8  }
0x183: {  	v8 =	vld.idx.msk [tilespmem:v8+s8+$0x0], $0xffff;
	v1 =	vand.u32 $0xFFFFF800, v19;
	v18 =	vor.u32 v18, v53;
	v19 =	vor.u32 v11, v24  }
0x184: {  	v63 =	vor.u32 v1, v19;
	_ =	sdelay $0x2  }
0x185: {  	v23 =	vmov v9;
	v9 =	vor.u32 s29, v14  }
0x186: {  	[tilespmem:v18+s15+$0x0] =	vst.idx.msk $0xffff, v8;
	v8 =	vand.u32 $0x7F, v0;
	v18 =	vshll.u32 v9, $0x8  }
0x187: {  	v62 =	vld.idx.msk [tilespmem:v63+s8+$0x0], $0xffff;
	v3 =	vand.u32 $0xFFFFF800, v18;
	v8 =	vor.u32 v8, v53;
	v18 =	vor.u32 v21, v24  }
0x188: {  	v63 =	vor.u32 v3, v18  }
0x189: {  	v5 =	vand.u32 $0x7F, v5  }
0x18a: {  	[tilespmem:v13+s15+$0x0] =	vst.idx.msk $0xffff, v17;
	v5 =	vor.u32 v5, v42;
	v33 =	vshll.u32 v12, $0x8  }
0x18b: {  	v13 =	vor.u32 v32, v50;
	v20 =	vld.idx.msk [tilespmem:v20+s8+$0x0], $0xffff;
	v1 =	vand.u32 $0xFFFFF800, v33;
	v3 =	vor.u32 s29, v2  }
0x18c: {  	v1 =	vor.u32 v1, v13;
	v9 =	vand.u32 $0x7F, v9;
	v17 =	vshll.u32 v3, $0x8;
	[tilespmem:v8+s15+$0x0] =	vst.idx.msk $0xffff, v62  }
0x18d: {  	v9 =	vor.u32 v9, v53;
	v0 =	vand.u32 $0xFFFFF800, v17;
	v17 =	vor.u32 v32, v24;
	v8 =	vld.idx.msk [tilespmem:v63+s8+$0x0], $0xffff  }
0x18e: {  	v62 =	vor.u32 v0, v17;
	_ =	sdelay $0x1  }
0x18f: {  	[tilespmem:v5+s15+$0x0] =	vst.idx.msk $0xffff, v20;
	v5 =	vor.u32 v7, v50;
	v50 =	vor.u32 s29, v30;
	v12 =	vand.u32 $0x7F, v12  }
0x190: {  	v20 =	vor.u32 v12, v42;
	v33 =	vmovc v2;
	v2 =	vshll.u32 v4, $0x8;
	v3 =	vand.u32 $0x7F, v3  }
0x191: {  	v12 =	vshll.u32 v50, $0x8;
	v1 =	vld.idx.msk [tilespmem:v1+s8+$0x0], $0xffff;
	v3 =	vor.u32 v3, v53;
	v63 =	vand.u32 $0xFFFFF800, v2;
	[tilespmem:v9+s15+$0x0] =	vst.idx.msk $0xffff, v8  }
0x192: {  	v63 =	vor.u32 v63, v5;
	v8 =	vand.u32 $0xFFFFF800, v12;
	v12 =	vor.u32 v7, v24;
	v9 =	vld.idx.msk [tilespmem:v62+s8+$0x0], $0xffff  }
0x193: {  	v8 =	vor.u32 v8, v12;
	_ =	sdelay $0x2  }
0x194: {  	[tilespmem:v20+s15+$0x0] =	vst.idx.msk $0xffff, v1;
	v1 =	vand.u32 $0x7F, v4  }
0x195: {  	v1 =	vor.u32 v1, v42;
	v63 =	vld.idx.msk [tilespmem:v63+s8+$0x0], $0xffff;
	[tilespmem:v3+s15+$0x0] =	vst.idx.msk $0xffff, v9;
	v9 =	vand.u32 $0x7F, v50  }
0x196: {  	v8 =	vld.idx.msk [tilespmem:v8+s8+$0x0], $0xffff;
	v9 =	vor.u32 v9, v53;
	_ =	sdelay $0x1  }
0x197: {  	v24 =	vor.u32 s28, v15  }
0x198: {  	v20 =	vor.u32 s29, v15;
	v62 =	vshll.u32 v24, $0x8  }
0x199: {  	v2 =	vshll.u32 v20, $0x8;
	v4 =	vand.u32 $0xFFFFF800, v62;
	[tilespmem:v1+s15+$0x0] =	vst.idx.msk $0xffff, v63  }
0x19a: {  	v4 =	vor.u32 v4, v40;
	v50 =	vand.u32 $0xFFFFF800, v2;
	[tilespmem:v9+s15+$0x0] =	vst.idx.msk $0xffff, v8  }
0x19b: {  	v63 =	vand.u32 $0x7F, v24;
	v28 =	vor.u32 v50, v28;
	v0 =	vld [tilespmem:$0x1FE40]  }
0x19c: {  	v1 =	vor.u32 v63, v42;
	v63 =	vld [tilespmem:$0x1FE50]  }
0x19d: {  	v40 =	vor.u32 s28, v36  }
0x19e: {  	v62 =	vshll.u32 v40, $0x8;
	v24 =	vor.u32 s29, v36  }
0x19f: {  	v62 =	vand.u32 $0xFFFFF800, v62;
	v4 =	vld.idx.msk [tilespmem:v4+s8+$0x0], $0xffff;
	v8 =	vand.u32 $0x7F, v20;
	v9 =	vshll.u32 v24, $0x8  }
0x1a0: {  	v3 =	vor.u32 v62, v49;
	v20 =	vld.idx.msk [tilespmem:v28+s8+$0x0], $0xffff;
	v9 =	vand.u32 $0xFFFFF800, v9;
	v8 =	vor.u32 v8, v53  }
0x1a1: {  	v9 =	vor.u32 v9, v29;
	v28 =	vcombine.low v0, v63;
	_ =	sdelay $0x1  }
0x1a2: {  	v40 =	vand.u32 $0x7F, v40;
	v29 =	vor.u32 s28, v51;
	v62 =	vand.u32 $0xF, v28  }
0x1a3: {  	[tilespmem:v1+s15+$0x0] =	vst.idx.msk $0xffff, v4;
	v4 =	vor.u32 v40, v42;
	v63 =	vshll.u32 v29, $0x8;
	v28 =	vor.u32 s29, v62  }
0x1a4: {  	v3 =	vld.idx.msk [tilespmem:v3+s8+$0x0], $0xffff;
	[tilespmem:v8+s15+$0x0] =	vst.idx.msk $0xffff, v20;
	v8 =	vand.u32 $0x7F, v24;
	v1 =	vand.u32 $0xFFFFF800, v63;
	v20 =	vshll.u32 v28, $0x8  }
0x1a5: {  	v9 =	vld.idx.msk [tilespmem:v9+s8+$0x0], $0xffff;
	v8 =	vor.u32 v8, v53;
	v1 =	vor.u32 v1, v48;
	v20 =	vand.u32 $0xFFFFF800, v20  }
0x1a6: {  	v20 =	vor.u32 v20, v61  }
0x1a7: {  	v40 =	vor.u32 s28, v37  }
0x1a8: {  	v51 =	vshll.u32 v40, $0x8;
	v29 =	vand.u32 $0x7F, v29  }
0x1a9: {  	v24 =	vshll.u32 v57, $0x8;
	[tilespmem:v4+s15+$0x0] =	vst.idx.msk $0xffff, v3;
	v4 =	vor.u32 v29, v42;
	v29 =	vor.u32 s29, v37  }
0x1aa: {  	v3 =	vand.u32 $0xFFFFF800, v51;
	[tilespmem:v8+s15+$0x0] =	vst.idx.msk $0xffff, v9;
	v8 =	vand.u32 $0x7F, v28;
	v9 =	vshll.u32 v29, $0x8;
	v1 =	vld.idx.msk [tilespmem:v1+s8+$0x0], $0xffff  }
0x1ab: {  	v3 =	vor.u32 v3, v47;
	v8 =	vor.u32 v8, v53;
	v9 =	vand.u32 $0xFFFFF800, v9;
	v20 =	vld.idx.msk [tilespmem:v20+s8+$0x0], $0xffff  }
0x1ac: {  	v24 =	vand.u32 $0xFFFFF800, v24;
	v9 =	vor.u32 v9, v25  }
0x1ad: {  	v24 =	vor.u32 v24, v38;
	v48 =	vand.u32 $0x7F, v40;
	v28 =	vand.u32 $0x7F, v56  }
0x1ae: {  	[tilespmem:v58+s15+$0x0] =	vst.idx.msk $0xffff, v59;
	v38 =	vor.u32 s28, v34;
	v25 =	vor.u32 v28, v41;
	v28 =	vor.u32 s28, v35  }
0x1af: {  	v59 =	vld.idx.msk [tilespmem:v60+s8+$0x0], $0xffff;
	v48 =	vor.u32 v48, v42;
	v58 =	vshll.u32 v28, $0x8;
	[tilespmem:v4+s15+$0x0] =	vst.idx.msk $0xffff, v1;
	v4 =	vor.u32 s29, v35  }
0x1b0: {  	v29 =	vand.u32 $0x7F, v29;
	v63 =	vand.u32 $0xFFFFF800, v58;
	v3 =	vld.idx.msk [tilespmem:v3+s8+$0x0], $0xffff;
	[tilespmem:v8+s15+$0x0] =	vst.idx.msk $0xffff, v20;
	v8 =	vshll.u32 v4, $0x8  }
0x1b1: {  	v1 =	vor.u32 v63, v55;
	v20 =	vor.u32 v29, v53;
	v9 =	vld.idx.msk [tilespmem:v9+s8+$0x0], $0xffff;
	v8 =	vand.u32 $0xFFFFF800, v8  }
0x1b2: {  	v51 =	vshll.u32 v38, $0x8;
	v56 =	vand.u32 $0x7F, v57;
	v8 =	vor.u32 v8, v19  }
0x1b3: {  	v57 =	vshll.u32 v52, $0x8;
	v28 =	vand.u32 $0x7F, v28;
	v63 =	vand.u32 $0xF, v46  }
0x1b4: {  	v28 =	vor.u32 v28, v42;
	v55 =	vand.u32 $0xFFFFF800, v51;
	v46 =	vor.u32 s24, v63;
	[tilespmem:v25+s15+$0x0] =	vst.idx.msk $0xffff, v59  }
0x1b5: {  	v24 =	vld.idx.msk [tilespmem:v24+s8+$0x0], $0xffff;
	v29 =	vand.u32 $0xFFFFF800, v57;
	v19 =	vor.u32 v56, v41;
	[tilespmem:v48+s15+$0x0] =	vst.idx.msk $0xffff, v3;
	v56 =	vor.u32 s29, v34  }
0x1b6: {  	v4 =	vand.u32 $0x7F, v4;
	v25 =	vor.u32 v29, v44;
	v1 =	vld.idx.msk [tilespmem:v1+s8+$0x0], $0xffff;
	v57 =	vshll.u32 v56, $0x8;
	[tilespmem:v20+s15+$0x0] =	vst.idx.msk $0xffff, v9  }
0x1b7: {  	v4 =	vor.u32 v4, v53;
	v3 =	vor.u32 v55, v54;
	v9 =	vand.u32 $0xFFFFF800, v57;
	v8 =	vld.idx.msk [tilespmem:v8+s8+$0x0], $0xffff  }
0x1b8: {  	v29 =	vshll.u32 v46, $0x8;
	v20 =	vand.u32 $0x7F, v52;
	v9 =	vor.u32 v9, v18  }
0x1b9: {  	v40 =	vand.u32 $0xF, v45;
	v29 =	vand.u32 $0xFFFFF800, v29;
	v18 =	vor.u32 v20, v41  }
0x1ba: {  	v20 =	vor.u32 v29, v39;
	[tilespmem:v19+s15+$0x0] =	vst.idx.msk $0xffff, v24;
	v24 =	vor.u32 s28, v63;
	v29 =	vand.u32 $0x7F, v38  }
0x1bb: {  	v25 =	vld.idx.msk [tilespmem:v25+s8+$0x0], $0xffff;
	[tilespmem:v28+s15+$0x0] =	vst.idx.msk $0xffff, v1;
	v58 =	vshll.u32 v24, $0x8;
	v28 =	vor.u32 v29, v42;
	v29 =	vor.u32 s29, v63  }
0x1bc: {  	v3 =	vld.idx.msk [tilespmem:v3+s8+$0x0], $0xffff;
	v1 =	vand.u32 $0xFFFFF800, v58;
	[tilespmem:v4+s15+$0x0] =	vst.idx.msk $0xffff, v8;
	v4 =	vand.u32 $0x7F, v56;
	v8 =	vshll.u32 v29, $0x8  }
0x1bd: {  	v1 =	vor.u32 v1, v13;
	v9 =	vld.idx.msk [tilespmem:v9+s8+$0x0], $0xffff;
	v4 =	vor.u32 v4, v53;
	v8 =	vand.u32 $0xFFFFF800, v8  }
0x1be: {  	v19 =	vor.u32 s24, v40;
	v24 =	vand.u32 $0x7F, v24;
	v8 =	vor.u32 v8, v17  }
0x1bf: {  	v59 =	vshll.u32 v19, $0x8;
	v24 =	vor.u32 v24, v42;
	v13 =	vand.u32 $0x7F, v46  }
0x1c0: {  	v13 =	vor.u32 v13, v41;
	[tilespmem:v18+s15+$0x0] =	vst.idx.msk $0xffff, v25;
	v18 =	vor.u32 s28, v40;
	v17 =	vand.u32 $0xFFFFF800, v59  }
0x1c1: {  	v25 =	vor.u32 s29, v40;
	v20 =	vld.idx.msk [tilespmem:v20+s8+$0x0], $0xffff;
	[tilespmem:v28+s15+$0x0] =	vst.idx.msk $0xffff, v3;
	v60 =	vshll.u32 v18, $0x8;
	v17 =	vor.u32 v17, v43  }
0x1c2: {  	v1 =	vld.idx.msk [tilespmem:v1+s8+$0x0], $0xffff;
	v3 =	vand.u32 $0xFFFFF800, v60;
	[tilespmem:v4+s15+$0x0] =	vst.idx.msk $0xffff, v9;
	v4 =	vand.u32 $0x7F, v29;
	v9 =	vshll.u32 v25, $0x8  }
0x1c3: {  	v3 =	vor.u32 v3, v5;
	v5 =	vld.idx.msk [tilespmem:v8+s8+$0x0], $0xffff;
	v4 =	vor.u32 v4, v53;
	v8 =	vand.u32 $0xFFFFF800, v9  }
0x1c4: {  	v8 =	vor.u32 v8, v12;
	_ =	sdelay $0x1  }
0x1c5: {  	[tilespmem:v13+s15+$0x0] =	vst.idx.msk $0xffff, v20;
	v9 =	vand.u32 $0x7F, v19  }
0x1c6: {  	v61 =	vand.u32 $0x7F, v18;
	v12 =	vld.idx.msk [tilespmem:v17+s8+$0x0], $0xffff;
	v9 =	vor.u32 v9, v41;
	[tilespmem:v24+s15+$0x0] =	vst.idx.msk $0xffff, v1  }
0x1c7: {  	s1 =	sadd.s32 s6, s23;
	v1 =	vor.u32 v61, v42;
	v3 =	vld.idx.msk [tilespmem:v3+s8+$0x0], $0xffff;
	[tilespmem:v4+s15+$0x0] =	vst.idx.msk $0xffff, v5;
	v4 =	vand.u32 $0x7F, v25  }
0x1c8: {  	s23 =	sshrl.u32 s1, $0x3;
	v5 =	vld.idx.msk [tilespmem:v8+s8+$0x0], $0xffff;
	v4 =	vor.u32 v4, v53  }
0x1c9: {  	s1 =	sshll.u32 s1, $0xA;
	s31 =	smul.u32 $0x32000, s23;
	s23 =	sshll.u32 s23, $0xD  }
0x1ca: {  	s1 =	ssub.s32 s1, s23  }
0x1cb: {  	s1 =	sadd.s32 s31, s1;
	[tilespmem:v9+s15+$0x0] =	vst.idx.msk $0xffff, v12  }
0x1cc: {  	s1 =	sshrl.u32 s1, $0x3;
	[tilespmem:v1+s15+$0x0] =	vst.idx.msk $0xffff, v3  }
0x1cd: {  	p1 =	seq.s32 @!p0 s21, $0x18;
	s1 =	sadd.s32 s2, s1;
	[tilespmem:v4+s15+$0x0] =	vst.idx.msk $0xffff, v5  }
0x1ce: {  	[hbm4b:s1+s16] =	stream.strided.scatter [tilespmem:s15], [sflag:$0x3], $0x6400, s18, s16, $0x38;
	[tilespmem:$0x1EC00] =	vst v63  }
0x1cf: {  	p1 =	por p0, !p1;
	_ =	swait.ge [sflag:s19], $0x8000  }
.Ltmp1:
0x1d0: {  	[sflag:s19] =	ssyncset.done $0x0;
	(pc) =	sbr.rel @!p1 .LBB2_6-.Ltmp1, $4  }
0x1d1: {  	s1 =	simm.s32 @!p0 $0x4;
	[sflag:s19] =	ssyncadd.s32 $0xFFFF8000  }
0x1d2: {  	_ =	swait.ge @!p0 [sflag:s1], $0x6400  }
0x1d3: {  	[sflag:s1] =	ssyncset.done @!p0 $0x0  }
0x1d4: {  	v27 =	vmov v6;
	[sflag:s1] =	ssyncadd.s32 @!p0 $0xFFFF9C00  }
0x1d5: {  	s1 =	sshll.u32 s21, $0x8  }
0x1d6: {  	s23 =	sand.u32 $0x3FFFFF00, s1  }
0x1d7: {  	v1 =	vld [tilespmem:s23+$0x100];
	_ =	sdelay $0x2  }
0x1d8: {  	v0 =	vld [tilespmem:$0x1FE10]  }
0x1d9: {  	v2 =	vld [tilespmem:$0x1FDF0]  }
0x1da: {  	v4 =	vld [tilespmem:$0x1FE00];
	v3 =	vshll.u32 v1, $0x1  }
0x1db: {  	v1 =	vand.u32 $0x7, v1;
	v3 =	vand.u32 $0xFFFFFFF0, v3  }
0x1dc: {  	v1 =	vor.u32 v1, v3  }
0x1dd: {  	v3 =	vperm.xlane v1, v0;
	_ =	sdelay $0x1  }
0x1de: {  	v1 =	vperm.xlane v1, v4;
	v3 =	vadd.s32 v2, v3;
	_ =	sdelay $0x1  }
0x1df: {  	v1 =	vadd.s32 v2, v1;
	_ =	sdelay $0x2  }
0x1e0: {  	[tilespmem:s8], [sflag:$0x1] =	stream.indirect_vreg.gather [hbm4b:s4+s3], $0x80, v3, vm0, $0xb8;
	[tilespmem:$0x1EC00] =	vst v63  }
0x1e1: {  	s24 =	simm.s32 $0x2400  }
0x1e2: {  	[tilespmem:s24], [sflag:$0x1] =	stream.indirect_vreg.gather [hbm4b:s4+s3], $0x80, v1, vm0, $0xb8;
	[tilespmem:$0x1EC00] =	vst v63  }
0x1e3: {  	v1 =	vld [tilespmem:s23+$0x110];
	_ =	sdelay $0x4  }
0x1e4: {  	v55 =	vshll.u32 v1, $0x1  }
0x1e5: {  	v1 =	vand.u32 $0x7, v1;
	v3 =	vand.u32 $0xFFFFFFF0, v55  }
0x1e6: {  	v1 =	vor.u32 v1, v3  }
0x1e7: {  	v3 =	vperm.xlane v1, v0;
	_ =	sdelay $0x1  }
0x1e8: {  	v1 =	vperm.xlane v1, v4;
	v3 =	vadd.s32 v2, v3;
	_ =	sdelay $0x1  }
0x1e9: {  	v1 =	vadd.s32 v2, v1;
	_ =	sdelay $0x1  }
0x1ea: {  	s28 =	simm.s32 $0x2C00  }
0x1eb: {  	[tilespmem:s28], [sflag:$0x1] =	stream.indirect_vreg.gather [hbm4b:s4+s3], $0x80, v3, vm0, $0xb8;
	[tilespmem:$0x1EC00] =	vst v63  }
0x1ec: {  	s29 =	simm.s32 $0x3400  }
0x1ed: {  	[tilespmem:s29], [sflag:$0x1] =	stream.indirect_vreg.gather [hbm4b:s4+s3], $0x80, v1, vm0, $0xb8;
	[tilespmem:$0x1EC00] =	vst v63  }
0x1ee: {  	v1 =	vld [tilespmem:s23+$0x120];
	_ =	sdelay $0x4  }
0x1ef: {  	v56 =	vshll.u32 v1, $0x1  }
0x1f0: {  	v1 =	vand.u32 $0x7, v1;
	v3 =	vand.u32 $0xFFFFFFF0, v56  }
0x1f1: {  	v1 =	vor.u32 v1, v3  }
0x1f2: {  	v3 =	vperm.xlane v1, v0;
	_ =	sdelay $0x1  }
0x1f3: {  	v1 =	vperm.xlane v1, v4;
	v3 =	vadd.s32 v2, v3;
	_ =	sdelay $0x1  }
0x1f4: {  	v1 =	vadd.s32 v2, v1;
	_ =	sdelay $0x1  }
0x1f5: {  	s30 =	simm.s32 $0x3C00  }
0x1f6: {  	[tilespmem:s30], [sflag:$0x1] =	stream.indirect_vreg.gather [hbm4b:s4+s3], $0x80, v3, vm0, $0xb8;
	[tilespmem:$0x1EC00] =	vst v63  }
0x1f7: {  	s31 =	simm.s32 $0x4400  }
0x1f8: {  	[tilespmem:s31], [sflag:$0x1] =	stream.indirect_vreg.gather [hbm4b:s4+s3], $0x80, v1, vm0, $0xb8;
	[tilespmem:$0x1EC00] =	vst v63  }
0x1f9: {  	v1 =	vld [tilespmem:s23+$0x130];
	_ =	sdelay $0x4  }
0x1fa: {  	v57 =	vshll.u32 v1, $0x1  }
0x1fb: {  	v1 =	vand.u32 $0x7, v1;
	v3 =	vand.u32 $0xFFFFFFF0, v57  }
0x1fc: {  	v1 =	vor.u32 v1, v3  }
0x1fd: {  	v3 =	vperm.xlane v1, v0;
	_ =	sdelay $0x1  }
0x1fe: {  	v1 =	vperm.xlane v1, v4;
	v3 =	vadd.s32 v2, v3;
	_ =	sdelay $0x1  }
0x1ff: {  	v1 =	vadd.s32 v2, v1;
	_ =	sdelay $0x1  }
0x200: {  	s24 =	simm.s32 $0x4C00  }
0x201: {  	[tilespmem:s24], [sflag:$0x1] =	stream.indirect_vreg.gather [hbm4b:s4+s3], $0x80, v3, vm0, $0xb8;
	[tilespmem:$0x1EC00] =	vst v63  }
0x202: {  	s28 =	simm.s32 $0x5400  }
0x203: {  	[tilespmem:s28], [sflag:$0x1] =	stream.indirect_vreg.gather [hbm4b:s4+s3], $0x80, v1, vm0, $0xb8;
	[tilespmem:$0x1EC00] =	vst v63  }
0x204: {  	v1 =	vld [tilespmem:s23+$0x140];
	_ =	sdelay $0x4  }
0x205: {  	v58 =	vshll.u32 v1, $0x1  }
0x206: {  	v1 =	vand.u32 $0x7, v1;
	v3 =	vand.u32 $0xFFFFFFF0, v58  }
0x207: {  	v1 =	vor.u32 v1, v3  }
0x208: {  	v3 =	vperm.xlane v1, v0;
	_ =	sdelay $0x1  }
0x209: {  	v1 =	vperm.xlane v1, v4;
	v3 =	vadd.s32 v2, v3;
	_ =	sdelay $0x1  }
0x20a: {  	v1 =	vadd.s32 v2, v1;
	_ =	sdelay $0x1  }
0x20b: {  	s29 =	simm.s32 $0x5C00  }
0x20c: {  	[tilespmem:s29], [sflag:$0x1] =	stream.indirect_vreg.gather [hbm4b:s4+s3], $0x80, v3, vm0, $0xb8;
	[tilespmem:$0x1EC00] =	vst v63  }
0x20d: {  	s30 =	simm.s32 $0x6400  }
0x20e: {  	[tilespmem:s30], [sflag:$0x1] =	stream.indirect_vreg.gather [hbm4b:s4+s3], $0x80, v1, vm0, $0xb8;
	[tilespmem:$0x1EC00] =	vst v63  }
0x20f: {  	v1 =	vld [tilespmem:s23+$0x150];
	_ =	sdelay $0x4  }
0x210: {  	v59 =	vshll.u32 v1, $0x1  }
0x211: {  	v1 =	vand.u32 $0x7, v1;
	v3 =	vand.u32 $0xFFFFFFF0, v59  }
0x212: {  	v1 =	vor.u32 v1, v3  }
0x213: {  	v3 =	vperm.xlane v1, v0;
	_ =	sdelay $0x1  }
0x214: {  	v1 =	vperm.xlane v1, v4;
	v3 =	vadd.s32 v2, v3;
	_ =	sdelay $0x1  }
0x215: {  	v1 =	vadd.s32 v2, v1;
	_ =	sdelay $0x1  }
0x216: {  	s31 =	simm.s32 $0x6C00  }
0x217: {  	[tilespmem:s31], [sflag:$0x1] =	stream.indirect_vreg.gather [hbm4b:s4+s3], $0x80, v3, vm0, $0xb8;
	[tilespmem:$0x1EC00] =	vst v63  }
0x218: {  	s24 =	simm.s32 $0x7400  }
0x219: {  	[tilespmem:s24], [sflag:$0x1] =	stream.indirect_vreg.gather [hbm4b:s4+s3], $0x80, v1, vm0, $0xb8;
	[tilespmem:$0x1EC00] =	vst v63  }
0x21a: {  	v1 =	vld [tilespmem:s23+$0x160];
	_ =	sdelay $0x4  }
0x21b: {  	v60 =	vshll.u32 v1, $0x1  }
0x21c: {  	v1 =	vand.u32 $0x7, v1;
	v3 =	vand.u32 $0xFFFFFFF0, v60  }
0x21d: {  	v1 =	vor.u32 v1, v3  }
0x21e: {  	v3 =	vperm.xlane v1, v0;
	_ =	sdelay $0x1  }
0x21f: {  	v1 =	vperm.xlane v1, v4;
	v3 =	vadd.s32 v2, v3;
	_ =	sdelay $0x1  }
0x220: {  	v1 =	vadd.s32 v2, v1;
	_ =	sdelay $0x1  }
0x221: {  	s28 =	simm.s32 $0x7C00  }
0x222: {  	[tilespmem:s28], [sflag:$0x1] =	stream.indirect_vreg.gather [hbm4b:s4+s3], $0x80, v3, vm0, $0xb8;
	[tilespmem:$0x1EC00] =	vst v63  }
0x223: {  	s29 =	simm.s32 $0x8400  }
0x224: {  	[tilespmem:s29], [sflag:$0x1] =	stream.indirect_vreg.gather [hbm4b:s4+s3], $0x80, v1, vm0, $0xb8;
	[tilespmem:$0x1EC00] =	vst v63  }
0x225: {  	v1 =	vld [tilespmem:s23+$0x170];
	_ =	sdelay $0x4  }
0x226: {  	v61 =	vshll.u32 v1, $0x1  }
0x227: {  	v1 =	vand.u32 $0x7, v1;
	v3 =	vand.u32 $0xFFFFFFF0, v61  }
0x228: {  	v1 =	vor.u32 v1, v3  }
0x229: {  	v3 =	vperm.xlane v1, v0;
	_ =	sdelay $0x1  }
0x22a: {  	v1 =	vperm.xlane v1, v4;
	v3 =	vadd.s32 v2, v3;
	_ =	sdelay $0x1  }
0x22b: {  	v1 =	vadd.s32 v2, v1;
	_ =	sdelay $0x1  }
0x22c: {  	s30 =	simm.s32 $0x8C00  }
0x22d: {  	[tilespmem:s30], [sflag:$0x1] =	stream.indirect_vreg.gather [hbm4b:s4+s3], $0x80, v3, vm0, $0xb8;
	[tilespmem:$0x1EC00] =	vst v63  }
0x22e: {  	s31 =	simm.s32 $0x9400  }
0x22f: {  	[tilespmem:s31], [sflag:$0x1] =	stream.indirect_vreg.gather [hbm4b:s4+s3], $0x80, v1, vm0, $0xb8;
	[tilespmem:$0x1EC00] =	vst v63  }
.LBB2_6:
0x230: {  	s1 =	simm.s32 $0x0  }
0x231: {  	v6 =	vlaneseq.u32;
	v1 =	vmov s1  }
0x232: {  	s28 =	simm.s32 $0x0;
	v3 =	vor.u32 s1, v6;
	v1 =	vshll.u32 v1, $0x3  }
0x233: {  	v4 =	vor.u32 s28, v6;
	v5 =	vand.u32 $0x7F, v3;
	v1 =	vand.u32 $0x400, v1  }
0x234: {  	v8 =	vshll.u32 v4, $0x8;
	v1 =	vor.u32 v1, v5  }
0x235: {  	v5 =	vand.u32 $0xFFFFF800, v8;
	v8 =	vor.u32 v27, v1  }
0x236: {  	v5 =	vor.u32 v5, v8;
	_ =	sdelay $0x1  }
0x237: {  	v9 =	vmov s28  }
0x238: {  	v2 =	vld [tilespmem:$0x1FFC0];
	v3 =	vshll.u32 v3, $0x7;
	v9 =	vand.u32 $0xFFFFFF80, v9  }
0x239: {  	v4 =	vand.u32 $0x7F, v4;
	v41 =	vadd.s32 v9, v3  }
0x23a: {  	v4 =	vor.u32 v4, v41;
	v5 =	vld.idx.msk [tilespmem:v5+s26+$0x0], $0xffff;
	_ =	sdelay $0x2  }
0x23b: {  	v12 =	vor.u32 s28, v2  }
0x23c: {  	v3 =	vshll.u32 v12, $0x8  }
0x23d: {  	v9 =	vor.u32 v22, v1;
	v3 =	vand.u32 $0xFFFFF800, v3;
	[tilespmem:v4+s20+$0x0] =	vst.idx.msk $0xffff, v5  }
0x23e: {  	v3 =	vor.u32 v3, v9;
	v61 =	vld [tilespmem:$0x1FE80];
	_ =	sdelay $0x2  }
0x23f: {  	v13 =	vor.u32 s28, v23  }
0x240: {  	v4 =	vand.u32 $0x7F, v12;
	v5 =	vshll.u32 v13, $0x8  }
0x241: {  	v3 =	vld.idx.msk [tilespmem:v3+s26+$0x0], $0xffff;
	v4 =	vor.u32 v4, v41;
	v5 =	vand.u32 $0xFFFFF800, v5;
	v19 =	vor.u32 v61, v1  }
0x242: {  	v5 =	vor.u32 v5, v19;
	_ =	sdelay $0x2  }
0x243: {  	v12 =	vor.u32 s28, v16  }
0x244: {  	[tilespmem:v4+s20+$0x0] =	vst.idx.msk $0xffff, v3;
	v3 =	vand.u32 $0x7F, v13;
	v4 =	vshll.u32 v12, $0x8  }
0x245: {  	v18 =	vor.u32 v26, v1;
	v3 =	vor.u32 v3, v41;
	v4 =	vand.u32 $0xFFFFF800, v4;
	v5 =	vld.idx.msk [tilespmem:v5+s26+$0x0], $0xffff  }
0x246: {  	v4 =	vor.u32 v4, v18;
	_ =	sdelay $0x2  }
0x247: {  	v17 =	vor.u32 s28, v10  }
0x248: {  	[tilespmem:v3+s20+$0x0] =	vst.idx.msk $0xffff, v5;
	v3 =	vand.u32 $0x7F, v12;
	v5 =	vshll.u32 v17, $0x8  }
0x249: {  	v13 =	vor.u32 v11, v1;
	v4 =	vld.idx.msk [tilespmem:v4+s26+$0x0], $0xffff;
	v3 =	vor.u32 v3, v41;
	v5 =	vand.u32 $0xFFFFF800, v5  }
0x24a: {  	s23 =	simm.s32 $0x0;
	v5 =	vor.u32 v5, v13  }
0x24b: {  	v20 =	vmov s23  }
0x24c: {  	v24 =	vor.u32 s28, v14;
	v25 =	vor.u32 s28, v33;
	v20 =	vshll.u32 v20, $0x3  }
0x24d: {  	v42 =	vshll.u32 v24, $0x8;
	v24 =	vand.u32 $0x7F, v24;
	v55 =	vshll.u32 v25, $0x8  }
0x24e: {  	v44 =	vand.u32 $0xFFFFF800, v55;
	v52 =	vor.u32 v21, v1;
	v17 =	vand.u32 $0x7F, v17;
	[tilespmem:v3+s20+$0x0] =	vst.idx.msk $0xffff, v4  }
0x24f: {  	v12 =	vor.u32 s23, v6;
	s23 =	simm.s32 $0x10;
	v3 =	vor.u32 v17, v41;
	v4 =	vand.u32 $0xFFFFF800, v42;
	v5 =	vld.idx.msk [tilespmem:v5+s26+$0x0], $0xffff  }
0x250: {  	v24 =	vor.u32 v24, v41;
	v28 =	vor.u32 s23, v6;
	v4 =	vor.u32 v4, v52  }
0x251: {  	v29 =	vand.u32 $0x7F, v12;
	v17 =	vand.u32 $0x400, v20;
	v20 =	vshll.u32 v28, $0x8  }
0x252: {  	v43 =	vor.u32 s23, v2;
	v17 =	vor.u32 v17, v29;
	v20 =	vand.u32 $0xFFFFF800, v20  }
0x253: {  	v29 =	vshll.u32 v12, $0x7;
	v12 =	vmov s23;
	v54 =	vor.u32 v27, v17  }
0x254: {  	v56 =	vand.u32 $0xFFFFFF80, v12;
	v12 =	vor.u32 v32, v1;
	v20 =	vor.u32 v20, v54;
	[tilespmem:v3+s20+$0x0] =	vst.idx.msk $0xffff, v5  }
0x255: {  	v42 =	vadd.s32 v56, v29;
	v3 =	vand.u32 $0x7F, v28;
	v28 =	vld.idx.msk [tilespmem:v4+s26+$0x0], $0xffff;
	v4 =	vshll.u32 v43, $0x8  }
0x256: {  	v29 =	vor.u32 v44, v12;
	v5 =	vand.u32 $0xFFFFF800, v4;
	v4 =	vor.u32 v22, v17  }
0x257: {  	v45 =	vor.u32 v5, v4;
	v5 =	vand.u32 $0x7F, v25  }
0x258: {  	v46 =	vor.u32 v5, v41;
	v5 =	vor.u32 v7, v1  }
0x259: {  	v57 =	vor.u32 s28, v30;
	v3 =	vor.u32 v3, v42;
	v20 =	vld.idx.msk [tilespmem:v20+s26+$0x0], $0xffff;
	[tilespmem:$0x1FDE0] =	vst v5  }
0x25a: {  	v25 =	vshll.u32 v57, $0x8;
	[tilespmem:v24+s20+$0x0] =	vst.idx.msk $0xffff, v28  }
0x25b: {  	s24 =	simm.s32 $0x0;
	v25 =	vand.u32 $0xFFFFF800, v25;
	v29 =	vld.idx.msk [tilespmem:v29+s26+$0x0], $0xffff  }
0x25c: {  	v47 =	vor.u32 s24, v6;
	v24 =	vor.u32 v25, v5  }
0x25d: {  	v59 =	vor.u32 s28, v15;
	v55 =	vor.u32 s28, v35;
	v58 =	vor.u32 s23, v23  }
0x25e: {  	v50 =	vor.u32 s23, v16;
	v43 =	vand.u32 $0x7F, v43;
	v25 =	vshll.u32 v58, $0x8;
	[tilespmem:v3+s20+$0x0] =	vst.idx.msk $0xffff, v20  }
0x25f: {  	v49 =	vor.u32 v61, v17;
	v28 =	vor.u32 v43, v42;
	v25 =	vand.u32 $0xFFFFF800, v25;
	v45 =	vld.idx.msk [tilespmem:v45+s26+$0x0], $0xffff  }
0x260: {  	v44 =	vand.u32 $0x7F, v57;
	v3 =	vor.u32 v25, v49;
	v25 =	vshll.u32 v59, $0x8;
	[tilespmem:v46+s20+$0x0] =	vst.idx.msk $0xffff, v29  }
0x261: {  	v38 =	vor.u32 s23, v10;
	v44 =	vor.u32 v44, v41;
	v25 =	vand.u32 $0xFFFFF800, v25;
	v24 =	vld.idx.msk [tilespmem:v24+s26+$0x0], $0xffff  }
0x262: {  	v39 =	vshll.u32 v38, $0x8;
	v38 =	vand.u32 $0x7F, v38;
	v8 =	vor.u32 v25, v8  }
0x263: {  	v53 =	vand.u32 $0xFFFFF800, v39;
	v48 =	vor.u32 v26, v17;
	v56 =	vor.u32 s28, v62  }
0x264: {  	v39 =	vor.u32 v38, v42;
	v1 =	vand.u32 $0x7F, v58;
	v25 =	vshll.u32 v50, $0x8;
	[tilespmem:v28+s20+$0x0] =	vst.idx.msk $0xffff, v45  }
0x265: {  	v1 =	vor.u32 v1, v42;
	v25 =	vand.u32 $0xFFFFF800, v25;
	v29 =	vor.u32 s28, v36;
	v3 =	vld.idx.msk [tilespmem:v3+s26+$0x0], $0xffff  }
0x266: {  	v43 =	vand.u32 $0x7F, v59;
	v25 =	vor.u32 v25, v48;
	v60 =	vshll.u32 v29, $0x8;
	[tilespmem:v44+s20+$0x0] =	vst.idx.msk $0xffff, v24  }
0x267: {  	v20 =	vmov s24;
	v43 =	vor.u32 v43, v41;
	v51 =	vand.u32 $0xFFFFF800, v60;
	v8 =	vld.idx.msk [tilespmem:v8+s26+$0x0], $0xffff  }
0x268: {  	v58 =	vor.u32 s23, v33;
	v20 =	vshll.u32 v20, $0x3;
	v9 =	vor.u32 v51, v9  }
0x269: {  	v59 =	vshll.u32 v47, $0x7;
	v20 =	vand.u32 $0x400, v20;
	v46 =	vor.u32 v11, v17  }
0x26a: {  	v50 =	vand.u32 $0x7F, v50;
	v28 =	vor.u32 s28, v37;
	v57 =	vor.u32 v53, v46;
	[tilespmem:v1+s20+$0x0] =	vst.idx.msk $0xffff, v3  }
0x26b: {  	s24 =	simm.s32 $0x20;
	v29 =	vand.u32 $0x7F, v29;
	v53 =	vshll.u32 v56, $0x8;
	v51 =	vor.u32 v50, v42;
	v25 =	vld.idx.msk [tilespmem:v25+s26+$0x0], $0xffff  }
0x26c: {  	v45 =	vor.u32 v21, v17;
	v60 =	vor.u32 s24, v6;
	v33 =	vor.u32 v29, v41;
	[tilespmem:v43+s20+$0x0] =	vst.idx.msk $0xffff, v8  }
0x26d: {  	v29 =	vand.u32 $0x7F, v47;
	v47 =	vor.u32 v7, v17;
	v3 =	vand.u32 $0xFFFFF800, v53;
	v9 =	vld.idx.msk [tilespmem:v9+s26+$0x0], $0xffff  }
0x26e: {  	v24 =	vor.u32 s23, v14;
	v44 =	vor.u32 v32, v17;
	v3 =	vor.u32 v3, v19  }
0x26f: {  	v53 =	vor.u32 v20, v29;
	v20 =	vand.u32 $0x7F, v56;
	v29 =	vshll.u32 v28, $0x8  }
0x270: {  	v56 =	vor.u32 s24, v2;
	v28 =	vand.u32 $0x7F, v28;
	v19 =	vshll.u32 v24, $0x8;
	[tilespmem:v51+s20+$0x0] =	vst.idx.msk $0xffff, v25  }
0x271: {  	v19 =	vand.u32 $0xFFFFF800, v19;
	v8 =	vshll.u32 v60, $0x8;
	v25 =	vand.u32 $0xFFFFF800, v29;
	v29 =	vld.idx.msk [tilespmem:v57+s26+$0x0], $0xffff  }
0x272: {  	v50 =	vor.u32 v27, v53;
	v19 =	vor.u32 v19, v45;
	v8 =	vand.u32 $0xFFFFF800, v8;
	[tilespmem:v33+s20+$0x0] =	vst.idx.msk $0xffff, v9  }
0x273: {  	v20 =	vor.u32 v20, v41;
	v24 =	vand.u32 $0x7F, v24;
	v8 =	vor.u32 v8, v50;
	v3 =	vld.idx.msk [tilespmem:v3+s26+$0x0], $0xffff  }
0x274: {  	v38 =	vshll.u32 v56, $0x8;
	v28 =	vor.u32 v28, v41;
	v18 =	vor.u32 v25, v18  }
0x275: {  	v24 =	vor.u32 v24, v42;
	v51 =	vmov s24;
	v25 =	vshll.u32 v58, $0x8  }
0x276: {  	v57 =	vand.u32 $0xFFFFFF80, v51;
	v51 =	vor.u32 v22, v53;
	v25 =	vand.u32 $0xFFFFF800, v25;
	[tilespmem:v39+s20+$0x0] =	vst.idx.msk $0xffff, v29  }
0x277: {  	v43 =	vadd.s32 v57, v59;
	v9 =	vor.u32 v25, v44;
	v33 =	vand.u32 $0x7F, v60;
	v19 =	vld.idx.msk [tilespmem:v19+s26+$0x0], $0xffff  }
0x278: {  	v1 =	vand.u32 $0xFFFFF800, v38;
	v25 =	vshll.u32 v55, $0x8;
	v29 =	vor.u32 v33, v43;
	v8 =	vld.idx.msk [tilespmem:v8+s26+$0x0], $0xffff;
	[tilespmem:v20+s20+$0x0] =	vst.idx.msk $0xffff, v3  }
0x279: {  	v1 =	vor.u32 v1, v51;
	v59 =	vor.u32 s23, v30;
	v25 =	vand.u32 $0xFFFFF800, v25;
	v18 =	vld.idx.msk [tilespmem:v18+s26+$0x0], $0xffff  }
0x27a: {  	v39 =	vshll.u32 v59, $0x8;
	v25 =	vor.u32 v25, v13;
	v13 =	vand.u32 $0x7F, v58  }
0x27b: {  	v57 =	vor.u32 v61, v53;
	v60 =	vor.u32 v13, v42;
	v13 =	vand.u32 $0xFFFFF800, v39  }
0x27c: {  	v58 =	vor.u32 s28, v34;
	v17 =	vor.u32 v13, v47;
	v3 =	vor.u32 s24, v23;
	[tilespmem:v24+s20+$0x0] =	vst.idx.msk $0xffff, v19  }
0x27d: {  	v13 =	vand.u32 $0x7F, v55;
	[tilespmem:v29+s20+$0x0] =	vst.idx.msk $0xffff, v8;
	v19 =	vand.u32 $0x7F, v56;
	v20 =	vshll.u32 v3, $0x8;
	v9 =	vld.idx.msk [tilespmem:v9+s26+$0x0], $0xffff  }
0x27e: {  	v24 =	vshll.u32 v58, $0x8;
	v1 =	vld.idx.msk [tilespmem:v1+s26+$0x0], $0xffff;
	v19 =	vor.u32 v19, v43;
	v20 =	vand.u32 $0xFFFFF800, v20;
	[tilespmem:v28+s20+$0x0] =	vst.idx.msk $0xffff, v18  }
0x27f: {  	v56 =	vor.u32 v13, v41;
	v24 =	vand.u32 $0xFFFFF800, v24;
	v20 =	vor.u32 v20, v57;
	v25 =	vld.idx.msk [tilespmem:v25+s26+$0x0], $0xffff  }
0x280: {  	v24 =	vor.u32 v24, v52  }
0x281: {  	v31 =	vmovc v27;
	v27 =	vmovc v2;
	v2 =	vmov v15;
	v15 =	vmov v61;
	v8 =	vand.u32 $0x7F, v59  }
0x282: {  	v61 =	vor.u32 s23, v2;
	v55 =	vmovc v16;
	v8 =	vor.u32 v8, v42;
	v3 =	vand.u32 $0x7F, v3;
	[tilespmem:v60+s20+$0x0] =	vst.idx.msk $0xffff, v9  }
0x283: {  	v29 =	vshll.u32 v61, $0x8;
	v3 =	vor.u32 v3, v43;
	v9 =	vor.u32 s24, v55;
	[tilespmem:v19+s20+$0x0] =	vst.idx.msk $0xffff, v1;
	v17 =	vld.idx.msk [tilespmem:v17+s26+$0x0], $0xffff  }
0x284: {  	v18 =	vand.u32 $0xFFFFF800, v29;
	v29 =	vand.u32 $0x7F, v58;
	v60 =	vshll.u32 v9, $0x8;
	v20 =	vld.idx.msk [tilespmem:v20+s26+$0x0], $0xffff;
	[tilespmem:v56+s20+$0x0] =	vst.idx.msk $0xffff, v25  }
0x285: {  	v18 =	vor.u32 v18, v54;
	v54 =	vand.u32 $0xFFFFF800, v60;
	v60 =	vor.u32 v29, v41;
	v24 =	vld.idx.msk [tilespmem:v24+s26+$0x0], $0xffff;
	_ =	sdelay $0x1  }
0x286: {  	v39 =	vmov v26  }
0x287: {  	v33 =	vmov v7;
	v7 =	vmov v55;
	v55 =	vor.u32 v39, v53;
	[tilespmem:v8+s20+$0x0] =	vst.idx.msk $0xffff, v17  }
0x288: {  	v59 =	vor.u32 v54, v55;
	[tilespmem:v3+s20+$0x0] =	vst.idx.msk $0xffff, v20  }
0x289: {  	v28 =	vor.u32 s28, v63;
	v1 =	vor.u32 s23, v36;
	[tilespmem:v60+s20+$0x0] =	vst.idx.msk $0xffff, v24  }
0x28a: {  	v52 =	vor.u32 s28, v40;
	v58 =	vshll.u32 v28, $0x8;
	v25 =	vshll.u32 v1, $0x8;
	v60 =	vld [tilespmem:$0x1FF10]  }
0x28b: {  	v19 =	vand.u32 $0x7F, v61;
	v9 =	vand.u32 $0x7F, v9;
	v17 =	vand.u32 $0xFFFFF800, v25  }
0x28c: {  	v0 =	vmovc v10;
	v25 =	vld.idx.msk [tilespmem:v18+s26+$0x0], $0xffff;
	v2 =	vor.u32 v17, v4;
	v4 =	vand.u32 $0x7F, v28;
	v28 =	vshll.u32 v52, $0x8  }
0x28d: {  	v29 =	vand.u32 $0xFFFFF800, v58;
	v18 =	vor.u32 s24, v0;
	v3 =	vand.u32 $0xFFFFF800, v28;
	v28 =	vld.idx.msk [tilespmem:v59+s26+$0x0], $0xffff  }
0x28e: {  	v12 =	vor.u32 v29, v12;
	v8 =	vor.u32 v19, v42;
	v17 =	vshll.u32 v18, $0x8;
	v59 =	vld [tilespmem:$0x1FF50]  }
0x28f: {  	s31 =	simm.s32 $0x0;
	v26 =	vmovc v21;
	v19 =	vor.u32 v9, v43;
	v9 =	vand.u32 $0xFFFFF800, v17;
	v21 =	vmovc v60;
	v17 =	vor.u32 s24, v60;
	v60 =	vld [tilespmem:$0x1FDE0]  }
0x290: {  	v5 =	vmov v11;
	v38 =	vmov v62;
	v62 =	vor.u32 s31, v6  }
0x291: {  	v10 =	vmovc v39;
	v13 =	vmov s31;
	v61 =	vor.u32 s23, v37;
	v39 =	vmovc v63;
	v63 =	vor.u32 s23, v38  }
0x292: {  	v54 =	vor.u32 s23, v35;
	v56 =	vor.u32 v5, v53;
	v1 =	vand.u32 $0x7F, v1  }
0x293: {  	v16 =	vmovc v30;
	v20 =	vshll.u32 v62, $0x7;
	v58 =	vor.u32 v4, v41;
	v29 =	vor.u32 v9, v56;
	v30 =	vmovc v59  }
0x294: {  	s28 =	simm.s32 $0x30;
	v4 =	vor.u32 s24, v59;
	v59 =	vld.idx.msk [tilespmem:v12+s26+$0x0], $0xffff;
	[tilespmem:v8+s20+$0x0] =	vst.idx.msk $0xffff, v25;
	v60 =	vor.u32 v3, v60;
	v3 =	vshll.u32 v63, $0x8  }
0x295: {  	s29 =	simm.s32 $0x30;
	s30 =	simm.s32 $0x4;
	v11 =	vmovc v0;
	v14 =	vmovc v5;
	v25 =	vor.u32 s28, v6;
	v12 =	vor.u32 v1, v42;
	v5 =	vld.idx.msk [tilespmem:v2+s26+$0x0], $0xffff;
	v24 =	vand.u32 $0xFFFFF800, v3  }
.LBB2_7:
0x296: {  	v1 =	vand.u32 $0x7F, v62;
	v2 =	vshll.u32 v13, $0x3;
	v3 =	vor.u32 v24, v49  }
0x297: {  	v9 =	vand.u32 $0x7F, v18;
	v13 =	vshll.u32 v17, $0x8;
	v18 =	vand.u32 $0x7F, v52;
	[tilespmem:v19+s20+$0x0] =	vst.idx.msk $0xffff, v28  }
0x298: {  	v9 =	vor.u32 v9, v43;
	v13 =	vand.u32 $0xFFFFF800, v13;
	v19 =	vor.u32 v26, v53;
	v8 =	vld.idx.msk [tilespmem:v29+s26+$0x0], $0xffff  }
0x299: {  	v49 =	vmovc v57;
	v57 =	vand.u32 $0x7F, v63;
	v2 =	vand.u32 $0x400, v2;
	[tilespmem:v58+s20+$0x0] =	vst.idx.msk $0xffff, v59;
	v13 =	vor.u32 v13, v19  }
0x29a: {  	v18 =	vor.u32 v18, v41;
	v28 =	vshll.u32 v25, $0x8;
	v1 =	vor.u32 v2, v1;
	v24 =	vld.idx.msk [tilespmem:v60+s26+$0x0], $0xffff  }
0x29b: {  	v41 =	vmovc v42;
	v25 =	vand.u32 $0x7F, v25;
	[tilespmem:v12+s20+$0x0] =	vst.idx.msk $0xffff, v5;
	v5 =	vand.u32 $0xFFFFF800, v28;
	v12 =	vor.u32 v31, v1  }
0x29c: {  	v2 =	vor.u32 v57, v41;
	v28 =	vshll.u32 v61, $0x8;
	v5 =	vor.u32 v5, v12  }
0x29d: {  	v29 =	vmov s28;
	v58 =	vor.u32 s28, v27;
	v28 =	vand.u32 $0xFFFFF800, v28;
	v3 =	vld.idx.msk [tilespmem:v3+s26+$0x0], $0xffff;
	[tilespmem:v9+s20+$0x0] =	vst.idx.msk $0xffff, v8  }
0x29e: {  	v42 =	vmovc v43;
	v8 =	vor.u32 v28, v48;
	v9 =	vld.idx.msk [tilespmem:v13+s26+$0x0], $0xffff;
	v13 =	vand.u32 $0x7F, v17;
	v17 =	vshll.u32 v4, $0x8  }
0x29f: {  	[tilespmem:v18+s20+$0x0] =	vst.idx.msk $0xffff, v24;
	v18 =	vor.u32 v32, v53;
	v13 =	vor.u32 v13, v42;
	v17 =	vand.u32 $0xFFFFF800, v17  }
0x2a0: {  	v28 =	vand.u32 $0x7F, v61;
	v24 =	vand.u32 $0xFFFFFF80, v29;
	v17 =	vor.u32 v17, v18  }
0x2a1: {  	v29 =	vshll.u32 v54, $0x8;
	v5 =	vld.idx.msk [tilespmem:v5+s26+$0x0], $0xffff;
	v43 =	vadd.s32 v24, v20;
	v20 =	vshll.u32 v58, $0x8  }
0x2a2: {  	[tilespmem:v2+s20+$0x0] =	vst.idx.msk $0xffff, v3;
	v59 =	vor.u32 v25, v43;
	v3 =	vand.u32 $0xFFFFF800, v20;
	v20 =	vor.u32 v22, v1  }
0x2a3: {  	v24 =	vor.u32 v28, v41;
	v25 =	vand.u32 $0xFFFFF800, v29;
	v3 =	vor.u32 v3, v20;
	v8 =	vld.idx.msk [tilespmem:v8+s26+$0x0], $0xffff  }
0x2a4: {  	v4 =	vand.u32 $0x7F, v4;
	[tilespmem:v13+s20+$0x0] =	vst.idx.msk $0xffff, v9;
	v13 =	vor.u32 v25, v46  }
0x2a5: {  	v4 =	vor.u32 v4, v42;
	v9 =	vor.u32 s24, v16;
	v17 =	vld.idx.msk [tilespmem:v17+s26+$0x0], $0xffff  }
0x2a6: {  	v25 =	vshll.u32 v9, $0x8  }
0x2a7: {  	v0 =	vor.u32 v33, v53;
	v61 =	vor.u32 s28, v23;
	[tilespmem:v59+s20+$0x0] =	vst.idx.msk $0xffff, v5;
	v25 =	vand.u32 $0xFFFFF800, v25  }
0x2a8: {  	v29 =	vshll.u32 v61, $0x8;
	v3 =	vld.idx.msk [tilespmem:v3+s26+$0x0], $0xffff;
	v63 =	vor.u32 v25, v0;
	v25 =	vand.u32 $0x7F, v58;
	[tilespmem:v24+s20+$0x0] =	vst.idx.msk $0xffff, v8  }
0x2a9: {  	v24 =	vor.u32 v25, v43;
	v25 =	vand.u32 $0xFFFFF800, v29;
	v29 =	vld.idx.msk [tilespmem:v13+s26+$0x0], $0xffff  }
0x2aa: {  	s31 =	sshrl.u32 s30, $0x3;
	[tilespmem:v4+s20+$0x0] =	vst.idx.msk $0xffff, v17;
	v4 =	vld [tilespmem:$0x1FFB0]  }
0x2ab: {  	s1 =	sshll.u32 s31, $0x4  }
0x2ac: {  	v52 =	vor.u32 s23, v40;
	v62 =	vor.u32 s1, v6;
	v53 =	vmov v1  }
0x2ad: {  	v48 =	vmovc v55;
	v28 =	vor.u32 s23, v34;
	v57 =	vor.u32 v15, v53;
	v55 =	vor.u32 v10, v53  }
0x2ae: {  	v1 =	vand.u32 $0x7F, v61;
	v5 =	vand.u32 $0x7F, v54;
	v9 =	vand.u32 $0x7F, v9  }
0x2af: {  	v8 =	vshll.u32 v28, $0x8;
	v25 =	vor.u32 v25, v57;
	v4 =	vor.u32 s24, v4  }
0x2b0: {  	v5 =	vor.u32 v5, v41;
	v8 =	vand.u32 $0xFFFFF800, v8;
	v17 =	vshll.u32 v4, $0x8  }
0x2b1: {  	v9 =	vor.u32 v9, v42;
	v8 =	vor.u32 v8, v45;
	v2 =	vld.idx.msk [tilespmem:v63+s26+$0x0], $0xffff;
	v17 =	vand.u32 $0xFFFFF800, v17  }
0x2b2: {  	v1 =	vor.u32 v1, v43;
	v45 =	vmovc v19;
	v19 =	vor.u32 s23, v39;
	s23 =	smov.u32 s24;
	s24 =	smov.u32 s28;
	v17 =	vor.u32 v17, v50  }
0x2b3: {  	v46 =	vmovc v56;
	v56 =	vor.u32 v14, v53;
	v13 =	vmov s1;
	[tilespmem:v24+s20+$0x0] =	vst.idx.msk $0xffff, v3;
	v3 =	vor.u32 s24, v7  }
0x2b4: {  	v54 =	vor.u32 s23, v35;
	v24 =	vand.u32 $0x7F, v28;
	v50 =	vmovc v12;
	v12 =	vld.idx.msk [tilespmem:v25+s26+$0x0], $0xffff;
	v25 =	vshll.u32 v3, $0x8  }
0x2b5: {  	v24 =	vor.u32 v24, v41;
	[tilespmem:v5+s20+$0x0] =	vst.idx.msk $0xffff, v29;
	v5 =	vshll.u32 v19, $0x8;
	v25 =	vand.u32 $0xFFFFF800, v25  }
0x2b6: {  	v8 =	vld.idx.msk [tilespmem:v8+s26+$0x0], $0xffff;
	v5 =	vand.u32 $0xFFFFF800, v5;
	[tilespmem:v9+s20+$0x0] =	vst.idx.msk $0xffff, v2;
	v2 =	vor.u32 s23, v36;
	v25 =	vor.u32 v25, v55  }
0x2b7: {  	v4 =	vand.u32 $0x7F, v4;
	v5 =	vor.u32 v5, v44;
	v9 =	vld.idx.msk [tilespmem:v17+s26+$0x0], $0xffff;
	v17 =	vshll.u32 v2, $0x8  }
0x2b8: {  	v61 =	vor.u32 s23, v37;
	v60 =	vor.u32 v4, v42;
	v4 =	vand.u32 $0xFFFFF800, v17  }
0x2b9: {  	v63 =	vor.u32 s23, v38;
	v44 =	vmovc v18;
	v18 =	vor.u32 s24, v11;
	[tilespmem:v1+s20+$0x0] =	vst.idx.msk $0xffff, v12;
	v1 =	vor.u32 v4, v51  }
0x2ba: {  	p0 =	sne.s32 s30, $0x67;
	s29 =	sadd.s32 $0x10, s29;
	s31 =	sshll.u32 s31, $0x7;
	v3 =	vand.u32 $0x7F, v3;
	v12 =	vshll.u32 v18, $0x8;
	v17 =	vor.u32 s24, v21  }
.Ltmp2:
0x2bb: {  	s28 =	ssub.s32 s29, s31;
	v4 =	vand.u32 $0x7F, v19;
	v28 =	vld.idx.msk [tilespmem:v25+s26+$0x0], $0xffff;
	[tilespmem:v24+s20+$0x0] =	vst.idx.msk $0xffff, v8;
	v8 =	vshll.u32 v52, $0x8;
	v19 =	vor.u32 v3, v43;
	(pc) =	sbr.rel @p0 .LBB2_7-.Ltmp2, $4  }
0x2bc: {  	v51 =	vmovc v20;
	v3 =	vand.u32 $0xFFFFF800, v12;
	v20 =	vshll.u32 v62, $0x7;
	v25 =	vor.u32 s28, v6;
	v59 =	vld.idx.msk [tilespmem:v5+s26+$0x0], $0xffff  }
0x2bd: {  	v29 =	vor.u32 v3, v56;
	v58 =	vor.u32 v4, v41;
	v3 =	vand.u32 $0xFFFFF800, v8;
	[tilespmem:v60+s20+$0x0] =	vst.idx.msk $0xffff, v9  }
0x2be: {  	v60 =	vor.u32 v3, v47;
	v47 =	vmovc v0;
	v0 =	vand.u32 $0x7F, v2;
	v5 =	vld.idx.msk [tilespmem:v1+s26+$0x0], $0xffff;
	v1 =	vshll.u32 v63, $0x8  }
0x2bf: {  	s30 =	sadd.s32 $0x1, s30;
	v4 =	vor.u32 s24, v30;
	v12 =	vor.u32 v0, v42;
	v24 =	vand.u32 $0xFFFFF800, v1  }
0x2c0: {  	v0 =	vshll.u32 v13, $0x3  }
0x2c1: {  	v1 =	vand.u32 $0x7F, v62;
	v0 =	vand.u32 $0x400, v0  }
0x2c2: {  	v2 =	vshll.u32 v25, $0x8;
	v9 =	vor.u32 v0, v1  }
0x2c3: {  	v1 =	vand.u32 $0xFFFFF800, v2;
	v31 =	vor.u32 v31, v9  }
0x2c4: {  	v1 =	vor.u32 v1, v31;
	_ =	sdelay $0x1  }
0x2c5: {  	v3 =	vmov s28  }
0x2c6: {  	v8 =	vor.u32 s28, v27;
	v3 =	vand.u32 $0xFFFFFF80, v3  }
0x2c7: {  	v0 =	vand.u32 $0x7F, v25;
	v62 =	vadd.s32 v3, v20;
	v3 =	vshll.u32 v8, $0x8  }
0x2c8: {  	v0 =	vor.u32 v0, v62;
	v3 =	vand.u32 $0xFFFFF800, v3;
	v2 =	vor.u32 v22, v9;
	v1 =	vld.idx.msk [tilespmem:v1+s26+$0x0], $0xffff  }
0x2c9: {  	v3 =	vor.u32 v3, v2;
	_ =	sdelay $0x2  }
0x2ca: {  	v20 =	vor.u32 s28, v23;
	[tilespmem:$0x1FDC0] =	vst v2  }
0x2cb: {  	[tilespmem:v0+s20+$0x0] =	vst.idx.msk $0xffff, v1;
	v1 =	vand.u32 $0x7F, v8;
	v8 =	vshll.u32 v20, $0x8  }
0x2cc: {  	v0 =	vor.u32 v15, v9;
	v3 =	vld.idx.msk [tilespmem:v3+s26+$0x0], $0xffff;
	v1 =	vor.u32 v1, v62;
	v8 =	vand.u32 $0xFFFFF800, v8  }
0x2cd: {  	v8 =	vor.u32 v8, v0;
	_ =	sdelay $0x2  }
0x2ce: {  	v25 =	vor.u32 s28, v7;
	[tilespmem:$0x1FDD0] =	vst v0  }
0x2cf: {  	[tilespmem:v1+s20+$0x0] =	vst.idx.msk $0xffff, v3;
	v1 =	vand.u32 $0x7F, v20;
	v3 =	vshll.u32 v25, $0x8  }
0x2d0: {  	v27 =	vor.u32 v10, v9;
	v8 =	vld.idx.msk [tilespmem:v8+s26+$0x0], $0xffff;
	v2 =	vor.u32 v1, v62;
	v20 =	vand.u32 $0xFFFFF800, v3  }
0x2d1: {  	v20 =	vor.u32 v20, v27;
	_ =	sdelay $0x2  }
0x2d2: {  	v3 =	vor.u32 s28, v11  }
0x2d3: {  	[tilespmem:v2+s20+$0x0] =	vst.idx.msk $0xffff, v8;
	v2 =	vand.u32 $0x7F, v25;
	v8 =	vshll.u32 v3, $0x8  }
0x2d4: {  	v25 =	vld.idx.msk [tilespmem:v20+s26+$0x0], $0xffff;
	v2 =	vor.u32 v2, v62;
	v8 =	vand.u32 $0xFFFFF800, v8;
	v20 =	vor.u32 v14, v9  }
0x2d5: {  	v8 =	vor.u32 v8, v20  }
0x2d6: {  	v18 =	vand.u32 $0x7F, v18  }
0x2d7: {  	v18 =	vor.u32 v18, v43;
	v22 =	vor.u32 v26, v53  }
0x2d8: {  	[tilespmem:v19+s20+$0x0] =	vst.idx.msk $0xffff, v28;
	v19 =	vor.u32 s28, v21;
	v28 =	vor.u32 v26, v9;
	v1 =	vshll.u32 v17, $0x8  }
0x2d9: {  	v29 =	vld.idx.msk [tilespmem:v29+s26+$0x0], $0xffff;
	v1 =	vand.u32 $0xFFFFF800, v1;
	[tilespmem:v2+s20+$0x0] =	vst.idx.msk $0xffff, v25;
	v2 =	vand.u32 $0x7F, v3;
	v3 =	vshll.u32 v19, $0x8  }
0x2da: {  	v0 =	vor.u32 v1, v22;
	v8 =	vld.idx.msk [tilespmem:v8+s26+$0x0], $0xffff;
	v25 =	vor.u32 v2, v62;
	v3 =	vand.u32 $0xFFFFF800, v3  }
0x2db: {  	v3 =	vor.u32 v3, v28  }
0x2dc: {  	v17 =	vand.u32 $0x7F, v17  }
0x2dd: {  	v17 =	vor.u32 v17, v43;
	v1 =	vshll.u32 v4, $0x8  }
0x2de: {  	[tilespmem:v18+s20+$0x0] =	vst.idx.msk $0xffff, v29;
	v18 =	vor.u32 v32, v53;
	v29 =	vor.u32 s28, v30;
	v1 =	vand.u32 $0xFFFFF800, v1  }
0x2df: {  	v13 =	vor.u32 v1, v18;
	v0 =	vld.idx.msk [tilespmem:v0+s26+$0x0], $0xffff;
	[tilespmem:v25+s20+$0x0] =	vst.idx.msk $0xffff, v8;
	v8 =	vand.u32 $0x7F, v19;
	v19 =	vshll.u32 v29, $0x8  }
0x2e0: {  	v25 =	vld.idx.msk [tilespmem:v3+s26+$0x0], $0xffff;
	v8 =	vor.u32 v8, v62;
	v19 =	vand.u32 $0xFFFFF800, v19;
	v3 =	vor.u32 v32, v9  }
0x2e1: {  	v19 =	vor.u32 v19, v3;
	_ =	sdelay $0x1  }
0x2e2: {  	v23 =	vor.u32 v33, v53  }
0x2e3: {  	v53 =	vor.u32 v33, v9;
	v4 =	vand.u32 $0x7F, v4;
	v2 =	vor.u32 s24, v16;
	[tilespmem:v17+s20+$0x0] =	vst.idx.msk $0xffff, v0  }
0x2e4: {  	v4 =	vor.u32 v4, v43;
	v17 =	vor.u32 s28, v16;
	v1 =	vshll.u32 v2, $0x8;
	v13 =	vld.idx.msk [tilespmem:v13+s26+$0x0], $0xffff;
	[tilespmem:v8+s20+$0x0] =	vst.idx.msk $0xffff, v25  }
0x2e5: {  	v1 =	vand.u32 $0xFFFFF800, v1;
	v8 =	vand.u32 $0x7F, v29;
	v25 =	vshll.u32 v17, $0x8;
	v19 =	vld.idx.msk [tilespmem:v19+s26+$0x0], $0xffff  }
0x2e6: {  	v1 =	vor.u32 v1, v23;
	v8 =	vor.u32 v8, v62;
	v25 =	vand.u32 $0xFFFFF800, v25;
	v6 =	vld [tilespmem:$0x1FFB0]  }
0x2e7: {  	v0 =	vor.u32 v25, v53;
	_ =	sdelay $0x2  }
0x2e8: {  	v2 =	vand.u32 $0x7F, v2;
	[tilespmem:v4+s20+$0x0] =	vst.idx.msk $0xffff, v13  }
0x2e9: {  	v2 =	vor.u32 v2, v43;
	v9 =	vand.u32 $0x7F, v17;
	v25 =	vor.u32 s24, v6;
	[tilespmem:v8+s20+$0x0] =	vst.idx.msk $0xffff, v19;
	v8 =	vld.idx.msk [tilespmem:v1+s26+$0x0], $0xffff  }
0x2ea: {  	v9 =	vor.u32 v9, v62;
	v13 =	vor.u32 s28, v6;
	v4 =	vshll.u32 v25, $0x8;
	v0 =	vld.idx.msk [tilespmem:v0+s26+$0x0], $0xffff  }
0x2eb: {  	v17 =	vshll.u32 v13, $0x8;
	v4 =	vand.u32 $0xFFFFF800, v4  }
0x2ec: {  	v17 =	vand.u32 $0xFFFFF800, v17;
	v4 =	vor.u32 v4, v50  }
0x2ed: {  	v17 =	vor.u32 v17, v31  }
0x2ee: {  	[tilespmem:v2+s20+$0x0] =	vst.idx.msk $0xffff, v8  }
0x2ef: {  	[tilespmem:v9+s20+$0x0] =	vst.idx.msk $0xffff, v0  }
0x2f0: {  	v25 =	vand.u32 $0x7F, v25;
	v1 =	vld [tilespmem:$0x1FDC0]  }
0x2f1: {  	v8 =	vor.u32 v25, v43;
	v0 =	vld.idx.msk [tilespmem:v4+s26+$0x0], $0xffff;
	v4 =	vand.u32 $0x7F, v13  }
0x2f2: {  	v13 =	vld.idx.msk [tilespmem:v17+s26+$0x0], $0xffff;
	v4 =	vor.u32 v4, v62  }
0x2f3: {  	v19 =	vor.u32 s24, v36  }
0x2f4: {  	v2 =	vshll.u32 v19, $0x8;
	v25 =	vor.u32 s28, v36  }
0x2f5: {  	v2 =	vand.u32 $0xFFFFF800, v2;
	v9 =	vshll.u32 v25, $0x8  }
0x2f6: {  	v2 =	vor.u32 v2, v51;
	v9 =	vand.u32 $0xFFFFF800, v9;
	[tilespmem:v8+s20+$0x0] =	vst.idx.msk $0xffff, v0  }
0x2f7: {  	v9 =	vor.u32 v9, v1;
	[tilespmem:v4+s20+$0x0] =	vst.idx.msk $0xffff, v13  }
0x2f8: {  	v17 =	vor.u32 s24, v38;
	v1 =	vld [tilespmem:$0x1FDD0]  }
0x2f9: {  	v24 =	vor.u32 v24, v49;
	v29 =	vshll.u32 v17, $0x8;
	v17 =	vand.u32 $0x7F, v17  }
0x2fa: {  	v29 =	vand.u32 $0xFFFFF800, v29;
	v8 =	vand.u32 $0x7F, v19;
	v19 =	vor.u32 s28, v38  }
0x2fb: {  	v2 =	vld.idx.msk [tilespmem:v2+s26+$0x0], $0xffff;
	v8 =	vor.u32 v8, v43;
	v4 =	vand.u32 $0x7F, v25;
	v13 =	vshll.u32 v19, $0x8  }
0x2fc: {  	v0 =	vor.u32 v29, v57;
	v4 =	vor.u32 v4, v62;
	v13 =	vand.u32 $0xFFFFF800, v13;
	v9 =	vld.idx.msk [tilespmem:v9+s26+$0x0], $0xffff  }
0x2fd: {  	v29 =	vand.u32 $0x7F, v63;
	v25 =	vshll.u32 v61, $0x8;
	v13 =	vor.u32 v13, v1  }
0x2fe: {  	v29 =	vor.u32 v29, v42;
	v25 =	vand.u32 $0xFFFFF800, v25;
	[tilespmem:v12+s20+$0x0] =	vst.idx.msk $0xffff, v5;
	v5 =	vshll.u32 v54, $0x8  }
0x2ff: {  	v12 =	vor.u32 s24, v37;
	v25 =	vor.u32 v25, v48;
	v24 =	vld.idx.msk [tilespmem:v24+s26+$0x0], $0xffff;
	v5 =	vand.u32 $0xFFFFF800, v5  }
0x300: {  	[tilespmem:v8+s20+$0x0] =	vst.idx.msk $0xffff, v2;
	v2 =	vshll.u32 v12, $0x8;
	v8 =	vor.u32 v17, v43;
	v17 =	vor.u32 s28, v37  }
0x301: {  	v0 =	vld.idx.msk [tilespmem:v0+s26+$0x0], $0xffff;
	v2 =	vand.u32 $0xFFFFF800, v2;
	[tilespmem:v4+s20+$0x0] =	vst.idx.msk $0xffff, v9;
	v4 =	vand.u32 $0x7F, v19;
	v9 =	vshll.u32 v17, $0x8  }
0x302: {  	v2 =	vor.u32 v2, v55;
	v4 =	vor.u32 v4, v62;
	v9 =	vand.u32 $0xFFFFF800, v9;
	v13 =	vld.idx.msk [tilespmem:v13+s26+$0x0], $0xffff  }
0x303: {  	v5 =	vor.u32 v5, v46;
	v9 =	vor.u32 v9, v27  }
0x304: {  	v12 =	vand.u32 $0x7F, v12;
	[tilespmem:v29+s20+$0x0] =	vst.idx.msk $0xffff, v24;
	v29 =	vor.u32 s24, v35;
	v19 =	vand.u32 $0x7F, v61  }
0x305: {  	v61 =	vor.u32 s23, v34;
	v25 =	vld.idx.msk [tilespmem:v25+s26+$0x0], $0xffff;
	v63 =	vshll.u32 v29, $0x8;
	v19 =	vor.u32 v19, v42  }
0x306: {  	v17 =	vand.u32 $0x7F, v17;
	v24 =	vshll.u32 v61, $0x8;
	[tilespmem:v8+s20+$0x0] =	vst.idx.msk $0xffff, v0;
	v8 =	vor.u32 s28, v35  }
0x307: {  	v0 =	vor.u32 v12, v43;
	v12 =	vand.u32 $0xFFFFF800, v63;
	v2 =	vld.idx.msk [tilespmem:v2+s26+$0x0], $0xffff;
	v35 =	vshll.u32 v8, $0x8;
	[tilespmem:v4+s20+$0x0] =	vst.idx.msk $0xffff, v13  }
0x308: {  	v4 =	vor.u32 v12, v56;
	v12 =	vor.u32 v17, v62;
	v13 =	vand.u32 $0xFFFFF800, v35;
	v9 =	vld.idx.msk [tilespmem:v9+s26+$0x0], $0xffff  }
0x309: {  	v24 =	vand.u32 $0xFFFFF800, v24;
	v8 =	vand.u32 $0x7F, v8;
	v13 =	vor.u32 v13, v20  }
0x30a: {  	v8 =	vor.u32 v8, v62;
	[tilespmem:v19+s20+$0x0] =	vst.idx.msk $0xffff, v25;
	v25 =	vand.u32 $0x7F, v29;
	v17 =	vand.u32 $0x7F, v54  }
0x30b: {  	v5 =	vld.idx.msk [tilespmem:v5+s26+$0x0], $0xffff;
	v17 =	vor.u32 v17, v42;
	v20 =	vor.u32 v24, v45;
	v24 =	vor.u32 s24, v34  }
0x30c: {  	[tilespmem:v0+s20+$0x0] =	vst.idx.msk $0xffff, v2;
	v2 =	vor.u32 v25, v43;
	v25 =	vor.u32 s28, v34;
	v0 =	vshll.u32 v24, $0x8  }
0x30d: {  	v19 =	vor.u32 s23, v39;
	v0 =	vand.u32 $0xFFFFF800, v0;
	v4 =	vld.idx.msk [tilespmem:v4+s26+$0x0], $0xffff;
	[tilespmem:v12+s20+$0x0] =	vst.idx.msk $0xffff, v9;
	v9 =	vshll.u32 v25, $0x8  }
0x30e: {  	v29 =	vshll.u32 v19, $0x8;
	v0 =	vor.u32 v0, v22;
	v12 =	vld.idx.msk [tilespmem:v13+s26+$0x0], $0xffff;
	v9 =	vand.u32 $0xFFFFF800, v9  }
0x30f: {  	v29 =	vand.u32 $0xFFFFF800, v29;
	v9 =	vor.u32 v9, v28  }
0x310: {  	v24 =	vand.u32 $0x7F, v24;
	[tilespmem:v17+s20+$0x0] =	vst.idx.msk $0xffff, v5;
	v5 =	vor.u32 v29, v44;
	v13 =	vand.u32 $0x7F, v61  }
0x311: {  	v17 =	vor.u32 s24, v39;
	v25 =	vand.u32 $0x7F, v25;
	v13 =	vor.u32 v13, v42  }
0x312: {  	v20 =	vld.idx.msk [tilespmem:v20+s26+$0x0], $0xffff;
	[tilespmem:v2+s20+$0x0] =	vst.idx.msk $0xffff, v4;
	v2 =	vshll.u32 v17, $0x8;
	v4 =	vor.u32 v24, v43;
	v24 =	vor.u32 s28, v39  }
0x313: {  	v28 =	vor.u32 s23, v40;
	v0 =	vld.idx.msk [tilespmem:v0+s26+$0x0], $0xffff;
	v2 =	vand.u32 $0xFFFFF800, v2;
	[tilespmem:v8+s20+$0x0] =	vst.idx.msk $0xffff, v12;
	v8 =	vshll.u32 v24, $0x8  }
0x314: {  	v2 =	vor.u32 v2, v18;
	v12 =	vor.u32 v25, v62;
	v9 =	vld.idx.msk [tilespmem:v9+s26+$0x0], $0xffff;
	v8 =	vand.u32 $0xFFFFF800, v8  }
0x315: {  	v18 =	vand.u32 $0x7F, v19;
	v19 =	vshll.u32 v28, $0x8;
	v3 =	vor.u32 v8, v3  }
0x316: {  	v8 =	vor.u32 v18, v42;
	v18 =	vand.u32 $0xFFFFF800, v19  }
0x317: {  	v17 =	vand.u32 $0x7F, v17;
	[tilespmem:v13+s20+$0x0] =	vst.idx.msk $0xffff, v20;
	v13 =	vor.u32 v18, v47;
	v18 =	vor.u32 s24, v40  }
0x318: {  	v5 =	vld.idx.msk [tilespmem:v5+s26+$0x0], $0xffff;
	[tilespmem:v4+s20+$0x0] =	vst.idx.msk $0xffff, v0;
	v0 =	vshll.u32 v18, $0x8;
	v4 =	vor.u32 v17, v43;
	v17 =	vor.u32 s28, v40  }
0x319: {  	v19 =	vand.u32 $0x7F, v24;
	v2 =	vld.idx.msk [tilespmem:v2+s26+$0x0], $0xffff;
	v0 =	vand.u32 $0xFFFFF800, v0;
	[tilespmem:v12+s20+$0x0] =	vst.idx.msk $0xffff, v9;
	v9 =	vshll.u32 v17, $0x8  }
0x31a: {  	v0 =	vor.u32 v0, v23;
	v1 =	vld.idx.msk [tilespmem:v3+s26+$0x0], $0xffff;
	v3 =	vor.u32 v19, v62;
	v9 =	vand.u32 $0xFFFFF800, v9  }
0x31b: {  	v9 =	vor.u32 v9, v53  }
0x31c: {  	[tilespmem:v58+s20+$0x0] =	vst.idx.msk $0xffff, v59;
	v12 =	vand.u32 $0x7F, v52  }
0x31d: {  	v19 =	vld.idx.msk [tilespmem:v60+s26+$0x0], $0xffff;
	v12 =	vor.u32 v12, v41;
	[tilespmem:v8+s20+$0x0] =	vst.idx.msk $0xffff, v5;
	v5 =	vand.u32 $0x7F, v28  }
0x31e: {  	v8 =	vld.idx.msk [tilespmem:v13+s26+$0x0], $0xffff;
	v5 =	vor.u32 v5, v42;
	[tilespmem:v4+s20+$0x0] =	vst.idx.msk $0xffff, v2;
	v2 =	vand.u32 $0x7F, v18  }
0x31f: {  	v0 =	vld.idx.msk [tilespmem:v0+s26+$0x0], $0xffff;
	v2 =	vor.u32 v2, v43;
	[tilespmem:v3+s20+$0x0] =	vst.idx.msk $0xffff, v1;
	v1 =	vand.u32 $0x7F, v17  }
0x320: {  	v3 =	vld.idx.msk [tilespmem:v9+s26+$0x0], $0xffff;
	v1 =	vor.u32 v1, v62;
	_ =	sdelay $0x1  }
0x321: {  	s1 =	sadd.s32 s6, s22;
	[tilespmem:v12+s20+$0x0] =	vst.idx.msk $0xffff, v19  }
0x322: {  	s21 =	sadd.s32 $0x1, s21;
	s22 =	sshrl.u32 s1, $0x3;
	s1 =	sshll.u32 s1, $0xA;
	[tilespmem:v5+s20+$0x0] =	vst.idx.msk $0xffff, v8  }
0x323: {  	p0 =	sne.s32 s21, $0x19;
	s31 =	smul.u32 $0x32000, s22;
	s22 =	sshll.u32 s22, $0xD;
	[tilespmem:v2+s20+$0x0] =	vst.idx.msk $0xffff, v0  }
.Ltmp3:
0x324: {  	s1 =	ssub.s32 s1, s22;
	[tilespmem:v1+s20+$0x0] =	vst.idx.msk $0xffff, v3;
	(pc) =	sbr.rel @p0 .LBB2_2-.Ltmp3, $4  }
0x325: {  	s1 =	sadd.s32 s31, s1;
	v6 =	vld [tilespmem:$0x1FFD0]  }
0x326: {  	s1 =	sshrl.u32 s1, $0x3;
	v63 =	vld [tilespmem:$0x1FFC0]  }
0x327: {  	s1 =	sadd.s32 s2, s1;
	v8 =	vld [tilespmem:$0x1FFE0]  }
0x328: {  	v0 =	vlaneseq.u32;
	[hbm4b:s1+s16] =	stream.strided.scatter [tilespmem:s20], [sflag:$0x4], $0x6400, s18, s16, $0x38;
	v9 =	vld [tilespmem:$0x1FFF0]  }
0x329: {  	s1 =	simm.s32 $0x3  }
0x32a: {  	_ =	swait.ge [sflag:s1], $0x6400  }
0x32b: {  	[sflag:s1] =	ssyncset.done $0x0  }
0x32c: {  	s21 =	simm.s32 $0x4;
	[sflag:s1] =	ssyncadd.s32 $0xFFFF9C00  }
0x32d: {  	_ =	swait.ge [sflag:s21], $0x6400  }
0x32e: {  	s22 =	rddreg [dreg:$0x5]  }
0x32f: {  	s31 =	rddreg [dreg:$0x4];
	s22 =	sadd.s32 $0x1, s22  }
0x330: {  	p0 =	sne.s32 s22, s31  }
.Ltmp4:
0x331: {  	_ = 	snop;
	(pc) =	sbr.rel @p0 .LBB2_1-.Ltmp4, $3  }
0x332: {  	_ =	sdelay $0x1  }
0x333: {  	[sflag:s21] =	ssyncset.done $0x0  }
0x334: {  	[sflag:s21] =	ssyncadd.s32 $0xFFFF9C00  }
0x335: {  	_ =	sfence.sel $0x180000  }
0x336: {  	[bflag:$0x0] =	sbarrier.arrive $0xFFFF  }
0x337: {  	_ =	strace $0x90000047  }
0x338: {  	s0 =	stileid.u32;
	[bflag:$0x2] =	sbarrier.arrive $0xFFFF  }
0x339: {  	p0 =	sne.s32 s0, $0x0;
	s0 =	rddreg [dreg:$0x2]  }
0x33a: {  	s0 =	sadd.s32 @!p0 $0x100000, s0  }
0x33b: {  	[sflag:s0] =	ssyncadd.tile.s32 @!p0 $0x1;
	_ =	shalt  }
.Lfunc_end2:
_tile_overlayer_lowered:
.L_overlay_start_2:
0x33c: {  	(tag) =	ssettag $0x2  }
0x33d: {  	s0 =	rddreg [dreg:$0x0];
	s2 =	stileid.u32  }
0x33e: {  	s1 =	rddreg [dreg:$0x1];
	p0 =	sne.s32 s2, $0x0  }
0x33f: {  	s3 =	rddreg [dreg:$0x2];
	[bflag:$0x3] =	sbarrier.arrive $0xFFFF;
	s2 =	simm.s32 @!p0 $0x1C05  }
0x340: {  	[timem:s3], [sflag:s2] =	dma.local @!p0 [hbm:s0], s1  }
0x341: {  	s0 =	simm.s32 @!p0 $0x5  }
0x342: {  	_ =	swait.ge @!p0 [sflag:s0], s1  }
0x343: {  	s1 =	ssub.s32 @!p0 $0x0, s1;
	[sflag:s0] =	ssyncset.done @!p0 $0x0  }
0x344: {  	[sflag:s0] =	ssyncadd.s32 @!p0 s1  }
0x345: {  	[bflag:$0x3] =	sbarrier.arrive $0xFFFF  }
0x346: {  	_ =	shalt  }

</sc_bundles>
